<compile_context>
chip_gen: v7x
topology: tpu7x:2x2x1
jax: 0.10.2.dev20260603
libtpu: 0.0.44.dev20260713+nightly
codegen_flags: <defaults>
</compile_context>

<pallas_src>
import functools

import jax
import jax.numpy as jnp
from jax import lax
from jax.experimental import pallas as pl
from jax.experimental.pallas import tpu as pltpu
from jax.experimental.pallas import tpu_sc as plsc

N = 10000
D = 128
E = 320000

NCG = 8
CW = 16
NDH = 2
NH = N // NDH
EPC = E // 2
CHUNK = 1600
NCHUNK = EPC // CHUNK
GPC = CHUNK // 16



def _pool_body(x_ref, wt_ref, b_ref, o_ref):
    o_ref[...] = jnp.maximum(
        jnp.dot(x_ref[...], wt_ref[...], preferred_element_type=jnp.float32)
        + b_ref[...], 0.0)


def _pool(x, wt, b):
    bn = 1000
    return pl.pallas_call(
        _pool_body,
        grid=(N // bn,),
        in_specs=[
            pl.BlockSpec((bn, D), lambda i: (i, 0)),
            pl.BlockSpec((D, D), lambda i: (0, 0)),
            pl.BlockSpec((1, D), lambda i: (0, 0)),
        ],
        out_specs=pl.BlockSpec((bn, D), lambda i: (i, 0)),
        out_shape=jax.ShapeDtypeStruct((N, D), jnp.float32),
    )(x, wt, b)


def _final_body(x_ref, p0_ref, p1_ref, ws_ref, wn_ref, b_ref, o_ref):
    neigh = jnp.maximum(p0_ref[...], p1_ref[...])
    o_ref[...] = (
        jnp.dot(x_ref[...], ws_ref[...], preferred_element_type=jnp.float32)
        + jnp.dot(neigh, wn_ref[...], preferred_element_type=jnp.float32)
        + b_ref[...])


def _final(x, p0, p1, ws, wn, b):
    bn = 1000
    return pl.pallas_call(
        _final_body,
        grid=(N // bn,),
        in_specs=[
            pl.BlockSpec((bn, D), lambda i: (i, 0)),
            pl.BlockSpec((bn, D), lambda i: (i, 0)),
            pl.BlockSpec((bn, D), lambda i: (i, 0)),
            pl.BlockSpec((D, D), lambda i: (0, 0)),
            pl.BlockSpec((D, D), lambda i: (0, 0)),
            pl.BlockSpec((1, D), lambda i: (0, 0)),
        ],
        out_specs=pl.BlockSpec((bn, D), lambda i: (i, 0)),
        out_shape=jax.ShapeDtypeStruct((N, D), jnp.float32),
    )(x, p0, p1, ws, wn, b)



def _segmax(ht, src, dst, w):
    mesh = plsc.VectorSubcoreMesh(core_axis_name="c", subcore_axis_name="s")

    @functools.partial(
        pl.kernel,
        out_type=jax.ShapeDtypeStruct((2, NCG, N, CW), jnp.float32),
        mesh=mesh,
        compiler_params=pltpu.CompilerParams(use_tc_tiling_on_sc=False),
        scratch_types=[
            pltpu.VMEM((CHUNK,), jnp.int32),
            pltpu.VMEM((CHUNK,), jnp.int32),
            pltpu.VMEM((CHUNK,), jnp.float32),
            pltpu.VMEM((CHUNK, CW), jnp.float32),
            pltpu.VMEM((NH, CW), jnp.float32),
            pltpu.SemaphoreType.DMA,
        ],
    )
    def k(ht_hbm, src_hbm, dst_hbm, w_hbm, out_hbm,
          srcb, dstb, wb, grows, acc, sem):
        c = lax.axis_index("c")
        s = lax.axis_index("s")
        cg = s % NCG
        dh = s // NCG
        dlo = dh * NH
        ebase = c * EPC
        zf = jnp.zeros((16,), jnp.float32)

        def zacc_body(i, carry):
            acc[i, pl.ds(0, CW)] = zf
            return carry
        lax.fori_loop(0, NH, zacc_body, 0)

        def chunk_body(ci, carry):
            eoff = ebase + ci * CHUNK
            pltpu.sync_copy(src_hbm.at[pl.ds(eoff, CHUNK)], srcb)
            pltpu.sync_copy(dst_hbm.at[pl.ds(eoff, CHUNK)], dstb)
            pltpu.sync_copy(w_hbm.at[pl.ds(eoff, CHUNK)], wb)
            pltpu.async_copy(ht_hbm.at[cg].at[srcb], grows, sem).wait()

            def group_body(g, carry2):
                dv = dstb[pl.ds(g * 16, 16)]
                wv = wb[pl.ds(g * 16, 16)]
                m = (dv >= dlo) & (dv < dlo + NH)
                dlv = jnp.where(m, dv - dlo, 0)
                wvv = jnp.where(m, wv, 0.0)
                for jj in range(16):
                    dl = dlv[jj]
                    ww = wvv[jj]
                    row = g * 16 + jj
                    acc[dl, pl.ds(0, CW)] = jnp.maximum(
                        acc[dl, pl.ds(0, CW)],
                        grows[row, pl.ds(0, CW)] * ww)
                return carry2
            lax.fori_loop(0, GPC, group_body, 0)
            return carry
        lax.fori_loop(0, NCHUNK, chunk_body, 0)

        pltpu.sync_copy(acc, out_hbm.at[c, cg, pl.ds(dlo, NH)])

    return k(ht, src, dst, w)


def kernel(x, edge_index, edge_weight,
           W_pool, b_pool, W_self, b_self, W_neigh, b_neigh):
    src = edge_index[0].astype(jnp.int32)
    dst = edge_index[1].astype(jnp.int32)
    w = edge_weight.reshape(E).astype(jnp.float32)

    h = _pool(x, W_pool.T, b_pool.reshape(1, D))
    ht = h.reshape(N, NCG, CW).transpose(1, 0, 2)
    part = _segmax(ht, src, dst, w)
    p = part.transpose(0, 2, 1, 3).reshape(2, N, D)
    return _final(x, p[0], p[1], W_self.T, W_neigh.T,
                  (b_self + b_neigh).reshape(1, D))

# --- scband reference (transcript-rebuilt; emitter-appended) ---
"""Pipeline reference for scband-model-39694087750057 (READ-ONLY COPY).

The authoritative reference and input builder live on the scoring server;
editing this copy changes nothing except your own understanding.
"""

import jax, jax.numpy as jnp
import numpy as np

N = 10000
E = 320000
D = 128


def _xavier_uniform(key, shape, gain=1.0):
    fan_out, fan_in = shape
    limit = gain * np.sqrt(6.0 / (fan_in + fan_out))
    return jax.random.uniform(key, shape, jnp.float32, -limit, limit)


def setup_inputs(seed: int = 0) -> dict:
    key = jax.random.key(seed)
    ks = jax.random.split(key, 10)
    x = jax.random.normal(ks[0], (N, D), dtype=jnp.float32)
    edge_index = jax.random.randint(ks[1], (2, E), 0, N)
    edge_weight = jax.random.uniform(ks[2], (E, 1), dtype=jnp.float32)
    gain = np.sqrt(2.0)  # calculate_gain('relu')
    W_pool = _xavier_uniform(ks[3], (D, D), gain)
    b_pool = jnp.zeros((D,), dtype=jnp.float32)
    W_self = _xavier_uniform(ks[4], (D, D), 1.0)
    b_self = jnp.zeros((D,), dtype=jnp.float32)
    W_neigh = _xavier_uniform(ks[5], (D, D), gain)
    b_neigh = jnp.zeros((D,), dtype=jnp.float32)
    return {
        'x': x,
        'edge_index': edge_index,
        'edge_weight': edge_weight,
        'W_pool': W_pool, 'b_pool': b_pool,
        'W_self': W_self, 'b_self': b_self,
        'W_neigh': W_neigh, 'b_neigh': b_neigh,
    }


def reference(x, edge_index, edge_weight, W_pool, b_pool, W_self, b_self, W_neigh, b_neigh):
    # Single ModelLayer (pool aggregator): block where src == dst == all nodes.
    # dropout prob is 0.0 -> identity; last layer so no outer activation.
    src = edge_index[0]
    dst = edge_index[1]
    feat_src = x
    feat_dst = x  # h[:num_dst_nodes] with num_dst == N
    # graph.srcdata['h'] = relu(fc_pool(feat_src))
    h = jax.nn.relu(feat_src @ W_pool.T + b_pool)
    # message: m = u_mul_e(h, w); reduce: max over incoming edges per dst
    m = h[src] * edge_weight  # [E, D]
    neigh = jax.ops.segment_max(m, dst, num_segments=N)
    # DGL fills nodes with no in-edges with zeros (segment_max yields -inf)
    neigh = jnp.where(jnp.isneginf(neigh), 0.0, neigh)
    rst = (feat_dst @ W_self.T + b_self) + (neigh @ W_neigh.T + b_neigh)
    return rst

if __name__ == "__main__":
    import jax
    _d = setup_inputs()
    print(jax.jit(kernel)(*tuple(_d.values())))

</pallas_src>

<mosaic_0001>
#map = affine_map<(d0, d1) -> (0, 0, 0)>
#map1 = affine_map<(d0, d1) -> (0)>
#map2 = affine_map<(d0, d1) -> (0, 0, 0, 0)>
module attributes {stable_mosaic.version = 14 : i64} {
  func.func @k(%arg0: i32, %arg1: i32, %arg2: memref<8x10000x16xf32, #tpu.memory_space<hbm>>, %arg3: memref<320000xi32, #tpu.memory_space<hbm>>, %arg4: memref<320000xi32, #tpu.memory_space<hbm>>, %arg5: memref<320000xf32, #tpu.memory_space<hbm>>, %arg6: memref<2x8x10000x16xf32, #tpu.memory_space<hbm>>, %arg7: memref<1600xi32, #tpu.memory_space<vmem>>, %arg8: memref<1600xi32, #tpu.memory_space<vmem>>, %arg9: memref<1600xf32, #tpu.memory_space<vmem>>, %arg10: memref<1600x16xf32, #tpu.memory_space<vmem>>, %arg11: memref<5000x16xf32, #tpu.memory_space<vmem>>, %arg12: memref<!tpu.dma_semaphore, #tpu.memory_space<semaphore_mem>>) attributes {dimension_semantics = [#tpu.dimension_semantics<core_parallel>, #tpu.dimension_semantics<subcore_parallel>], iteration_bounds = array<i64: 2, 16>, scalar_prefetch = 0 : i64, scratch_operands = 6 : i64, tpu.core_type = #tpu.core_type<sc_vector_subcore>, window_params = [{transform_indices = #map}, {transform_indices = #map1}, {transform_indices = #map1}, {transform_indices = #map1}, {transform_indices = #map2}]} {
    %jit3A = arith.constant 8 : i32
    %eq3A = arith.constant 0 : i32
    %eq3A_0 = arith.cmpi eq, %jit3A, %eq3A : i32
    %jit3A_1 = arith.constant 1 : i32
    %select_n3A = arith.select %eq3A_0, %jit3A_1, %jit3A : i32
    %rem3A = arith.remsi %arg1, %select_n3A : i32
    %ne3A = arith.constant 0 : i32
    %ne3A_2 = arith.cmpi ne, %rem3A, %ne3A : i32
    %lt3A = arith.constant 0 : i32
    %lt3A_3 = arith.cmpi slt, %rem3A, %lt3A : i32
    %lt3A_4 = arith.constant 0 : i32
    %lt3A_5 = arith.cmpi slt, %select_n3A, %lt3A_4 : i32
    %ne3A_6 = arith.xori %lt3A_3, %lt3A_5 : i1
    %and3A = arith.andi %ne3A_6, %ne3A_2 : i1
    %add3A = arith.addi %rem3A, %select_n3A : i32
    %select_n3A_7 = arith.select %and3A, %add3A, %rem3A : i32
    %jit3A_8 = arith.constant 8 : i32
    %div3A = arith.divsi %arg1, %jit3A_8 : i32
    %sign3A = arith.constant 0 : i32
    %sign3A_9 = arith.cmpi sgt, %arg1, %sign3A : i32
    %sign3A_10 = arith.extui %sign3A_9 : i1 to i32
    %sign3A_11 = arith.constant 0 : i32
    %sign3A_12 = arith.cmpi slt, %arg1, %sign3A_11 : i32
    %sign3A_13 = arith.extui %sign3A_12 : i1 to i32
    %sign3A_14 = arith.subi %sign3A_10, %sign3A_13 : i32
    %sign3A_15 = arith.constant 0 : i32
    %sign3A_16 = arith.cmpi sgt, %jit3A_8, %sign3A_15 : i32
    %sign3A_17 = arith.extui %sign3A_16 : i1 to i32
    %sign3A_18 = arith.constant 0 : i32
    %sign3A_19 = arith.cmpi slt, %jit3A_8, %sign3A_18 : i32
    %sign3A_20 = arith.extui %sign3A_19 : i1 to i32
    %sign3A_21 = arith.subi %sign3A_17, %sign3A_20 : i32
    %ne3A_22 = arith.cmpi ne, %sign3A_14, %sign3A_21 : i32
    %rem3A_23 = arith.remsi %arg1, %jit3A_8 : i32
    %ne3A_24 = arith.constant 0 : i32
    %ne3A_25 = arith.cmpi ne, %rem3A_23, %ne3A_24 : i32
    %and3A_26 = arith.andi %ne3A_22, %ne3A_25 : i1
    %sub3A = arith.constant 1 : i32
    %sub3A_27 = arith.subi %div3A, %sub3A : i32
    %select_n3A_28 = arith.select %and3A_26, %sub3A_27, %div3A : i32
    %mul3A = arith.constant 5000 : i32
    %mul3A_29 = arith.muli %select_n3A_28, %mul3A : i32
    %mul3A_30 = arith.constant 160000 : i32
    %mul3A_31 = arith.muli %arg0, %mul3A_30 : i32
    %broadcast_in_dim3A = arith.constant 0.000000e+00 : f32
    %broadcast_in_dim3A_32 = vector.broadcast %broadcast_in_dim3A : f32 to vector<16xf32>
    %scan3A = arith.constant 0 : i32
    %scan3A_33 = arith.constant 0 : i32
    %scan3A_34 = arith.constant 5000 : i32
    %scan3A_35 = arith.addi %scan3A_33, %scan3A_34 : i32
    %scan3A_36 = arith.constant 1 : i32
    scf.for %scan3A_44 = %scan3A_33 to %scan3A_35 step %scan3A_36  : i32 {
      %swap3A = arith.index_cast %scan3A_44 : i32 to index
      %swap3A_45 = arith.constant 0 : index
      %swap3A_46 = tpu.vector_load %arg11[%swap3A, %swap3A_45] {strides = array<i32>} : memref<5000x16xf32, #tpu.memory_space<vmem>>, vector<1x16xf32>,
      %swap3A_47 = vector.shape_cast %swap3A_46 : vector<1x16xf32> to vector<16xf32>
      %swap3A_48 = vector.shape_cast %broadcast_in_dim3A_32 : vector<16xf32> to vector<1x16xf32>
      tpu.vector_store %arg11[%swap3A, %swap3A_45], %swap3A_48 {strides = array<i32>} : memref<5000x16xf32, #tpu.memory_space<vmem>>, vector<1x16xf32>,
    }
    %scan3A_37 = arith.constant 5000 : i32
    %scan3A_38 = arith.constant 0 : i32
    %scan3A_39 = arith.constant 0 : i32
    %scan3A_40 = arith.constant 100 : i32
    %scan3A_41 = arith.addi %scan3A_39, %scan3A_40 : i32
    %scan3A_42 = arith.constant 1 : i32
    scf.for %scan3A_44 = %scan3A_39 to %scan3A_41 step %scan3A_42  : i32 {
      %mul3A_45 = arith.constant 1600 : i32
      %mul3A_46 = arith.muli %scan3A_44, %mul3A_45 : i32
      %add3A_47 = arith.addi %mul3A_31, %mul3A_46 : i32
      "tpu.region"() ({
        %run_scoped3A = tpu.sem_alloc : memref<!tpu.dma_semaphore, #tpu.memory_space<semaphore_mem>>
        %dma_start3A_66 = tpu.memref_slice %arg3[%add3A_47] : memref<320000xi32, #tpu.memory_space<hbm>> -> memref<1600xi32, #tpu.memory_space<hbm>>
        %dma_start3A_67 = tpu.memref_slice %arg3[%add3A_47] : memref<320000xi32, #tpu.memory_space<hbm>> -> memref<1600xi32, #tpu.memory_space<hbm>>
        tpu.enqueue_dma source(%dma_start3A_67 : memref<1600xi32, #tpu.memory_space<hbm>>) target(%arg7 : memref<1600xi32, #tpu.memory_space<vmem>>) target_semaphore(%run_scoped3A : memref<!tpu.dma_semaphore, #tpu.memory_space<semaphore_mem>>)
        %dma_wait3A_68 = tpu.memref_slice %arg3[%add3A_47] : memref<320000xi32, #tpu.memory_space<hbm>> -> memref<1600xi32, #tpu.memory_space<hbm>>
        %dma_wait3A_69 = tpu.memref_slice %arg3[%add3A_47] : memref<320000xi32, #tpu.memory_space<hbm>> -> memref<1600xi32, #tpu.memory_space<hbm>>
        tpu.wait_dma2 semaphore(%run_scoped3A : memref<!tpu.dma_semaphore, #tpu.memory_space<semaphore_mem>>) src(%dma_wait3A_69 : memref<1600xi32, #tpu.memory_space<hbm>>) dst(%arg7 : memref<1600xi32, #tpu.memory_space<vmem>>)
        tpu.yield
      }) : () -> ()
      "tpu.region"() ({
        %run_scoped3A = tpu.sem_alloc : memref<!tpu.dma_semaphore, #tpu.memory_space<semaphore_mem>>
        %dma_start3A_66 = tpu.memref_slice %arg4[%add3A_47] : memref<320000xi32, #tpu.memory_space<hbm>> -> memref<1600xi32, #tpu.memory_space<hbm>>
        %dma_start3A_67 = tpu.memref_slice %arg4[%add3A_47] : memref<320000xi32, #tpu.memory_space<hbm>> -> memref<1600xi32, #tpu.memory_space<hbm>>
        tpu.enqueue_dma source(%dma_start3A_67 : memref<1600xi32, #tpu.memory_space<hbm>>) target(%arg8 : memref<1600xi32, #tpu.memory_space<vmem>>) target_semaphore(%run_scoped3A : memref<!tpu.dma_semaphore, #tpu.memory_space<semaphore_mem>>)
        %dma_wait3A_68 = tpu.memref_slice %arg4[%add3A_47] : memref<320000xi32, #tpu.memory_space<hbm>> -> memref<1600xi32, #tpu.memory_space<hbm>>
        %dma_wait3A_69 = tpu.memref_slice %arg4[%add3A_47] : memref<320000xi32, #tpu.memory_space<hbm>> -> memref<1600xi32, #tpu.memory_space<hbm>>
        tpu.wait_dma2 semaphore(%run_scoped3A : memref<!tpu.dma_semaphore, #tpu.memory_space<semaphore_mem>>) src(%dma_wait3A_69 : memref<1600xi32, #tpu.memory_space<hbm>>) dst(%arg8 : memref<1600xi32, #tpu.memory_space<vmem>>)
        tpu.yield
      }) : () -> ()
      "tpu.region"() ({
        %run_scoped3A = tpu.sem_alloc : memref<!tpu.dma_semaphore, #tpu.memory_space<semaphore_mem>>
        %dma_start3A_66 = tpu.memref_slice %arg5[%add3A_47] : memref<320000xf32, #tpu.memory_space<hbm>> -> memref<1600xf32, #tpu.memory_space<hbm>>
        %dma_start3A_67 = tpu.memref_slice %arg5[%add3A_47] : memref<320000xf32, #tpu.memory_space<hbm>> -> memref<1600xf32, #tpu.memory_space<hbm>>
        tpu.enqueue_dma source(%dma_start3A_67 : memref<1600xf32, #tpu.memory_space<hbm>>) target(%arg9 : memref<1600xf32, #tpu.memory_space<vmem>>) target_semaphore(%run_scoped3A : memref<!tpu.dma_semaphore, #tpu.memory_space<semaphore_mem>>)
        %dma_wait3A_68 = tpu.memref_slice %arg5[%add3A_47] : memref<320000xf32, #tpu.memory_space<hbm>> -> memref<1600xf32, #tpu.memory_space<hbm>>
        %dma_wait3A_69 = tpu.memref_slice %arg5[%add3A_47] : memref<320000xf32, #tpu.memory_space<hbm>> -> memref<1600xf32, #tpu.memory_space<hbm>>
        tpu.wait_dma2 semaphore(%run_scoped3A : memref<!tpu.dma_semaphore, #tpu.memory_space<semaphore_mem>>) src(%dma_wait3A_69 : memref<1600xf32, #tpu.memory_space<hbm>>) dst(%arg9 : memref<1600xf32, #tpu.memory_space<vmem>>)
        tpu.yield
      }) : () -> ()
      %dma_start3A = arith.constant 0 : i32
      %dma_start3A_48 = arith.constant 0 : i32
      %dma_start3A_49 = tpu.memref_slice %arg2[%select_n3A_7, %dma_start3A, %dma_start3A_48] : memref<8x10000x16xf32, #tpu.memory_space<hbm>> -> memref<1x10000x16xf32, #tpu.memory_space<hbm>>
      %dma_start3A_50 = tpu.memref_squeeze %dma_start3A_49 : memref<1x10000x16xf32, #tpu.memory_space<hbm>> -> memref<10000x16xf32, #tpu.memory_space<hbm>>
      %dma_start3A_51 = arith.constant 0 : i32
      %dma_start3A_52 = arith.constant 0 : i32
      %dma_start3A_53 = tpu.memref_slice %dma_start3A_50[%dma_start3A_51, %dma_start3A_52] : memref<10000x16xf32, #tpu.memory_space<hbm>> -> memref<10000x16xf32, #tpu.memory_space<hbm>>
      tpu.enqueue_indirect_dma source(%dma_start3A_53 : memref<10000x16xf32, #tpu.memory_space<hbm>>) target(%arg10 : memref<1600x16xf32, #tpu.memory_space<vmem>>) offsets(%arg7 : memref<1600xi32, #tpu.memory_space<vmem>>) semaphore(%arg12 : memref<!tpu.dma_semaphore, #tpu.memory_space<semaphore_mem>>)
      %dma_wait3A = arith.constant 0 : i32
      %dma_wait3A_54 = arith.constant 0 : i32
      %dma_wait3A_55 = tpu.memref_slice %arg2[%select_n3A_7, %dma_wait3A, %dma_wait3A_54] : memref<8x10000x16xf32, #tpu.memory_space<hbm>> -> memref<1x10000x16xf32, #tpu.memory_space<hbm>>
      %dma_wait3A_56 = tpu.memref_squeeze %dma_wait3A_55 : memref<1x10000x16xf32, #tpu.memory_space<hbm>> -> memref<10000x16xf32, #tpu.memory_space<hbm>>
      %dma_wait3A_57 = arith.constant 0 : i32
      %dma_wait3A_58 = arith.constant 0 : i32
      %dma_wait3A_59 = tpu.memref_slice %dma_wait3A_56[%dma_wait3A_57, %dma_wait3A_58] : memref<10000x16xf32, #tpu.memory_space<hbm>> -> memref<10000x16xf32, #tpu.memory_space<hbm>>
      tpu.wait_indirect_dma semaphore(%arg12 : memref<!tpu.dma_semaphore, #tpu.memory_space<semaphore_mem>>) src(%dma_wait3A_59 : memref<10000x16xf32, #tpu.memory_space<hbm>>) dst(%arg10 : memref<1600x16xf32, #tpu.memory_space<vmem>>)
      %scan3A_60 = arith.constant 0 : i32
      %scan3A_61 = arith.constant 0 : i32
      %scan3A_62 = arith.constant 100 : i32
      %scan3A_63 = arith.addi %scan3A_61, %scan3A_62 : i32
      %scan3A_64 = arith.constant 1 : i32
      scf.for %scan3A_66 = %scan3A_61 to %scan3A_63 step %scan3A_64  : i32 {
        %mul3A_67 = arith.constant 16 : i32
        %mul3A_68 = arith.muli %scan3A_66, %mul3A_67 : i32
        %get3A = arith.index_cast %mul3A_68 : i32 to index
        %get3A_69 = tpu.vector_load %arg8[%get3A] {strides = array<i32>} : memref<1600xi32, #tpu.memory_space<vmem>>, vector<16xi32>,
        %get3A_70 = vector.shape_cast %get3A_69 : vector<16xi32> to vector<16xi32>
        %mul3A_71 = arith.constant 16 : i32
        %mul3A_72 = arith.muli %scan3A_66, %mul3A_71 : i32
        %get3A_73 = arith.index_cast %mul3A_72 : i32 to index
        %get3A_74 = tpu.vector_load %arg9[%get3A_73] {strides = array<i32>} : memref<1600xf32, #tpu.memory_space<vmem>>, vector<16xf32>,
        %get3A_75 = vector.shape_cast %get3A_74 : vector<16xf32> to vector<16xf32>
        %ge3A = vector.broadcast %mul3A_29 : i32 to vector<16xi32>
        %ge3A_76 = arith.cmpi sge, %get3A_70, %ge3A : vector<16xi32>
        %add3A_77 = arith.constant 5000 : i32
        %add3A_78 = arith.addi %mul3A_29, %add3A_77 : i32
        %lt3A_79 = vector.broadcast %add3A_78 : i32 to vector<16xi32>
        %lt3A_80 = arith.cmpi slt, %get3A_70, %lt3A_79 : vector<16xi32>
        %and3A_81 = arith.andi %ge3A_76, %lt3A_80 : vector<16xi1>
        %sub3A_82 = vector.broadcast %mul3A_29 : i32 to vector<16xi32>
        %sub3A_83 = arith.subi %get3A_70, %sub3A_82 : vector<16xi32>
        %jit3A_84 = arith.constant 0 : i32
        %broadcast_in_dim3A_85 = vector.broadcast %jit3A_84 : i32 to vector<16xi32>
        %select_n3A_86 = arith.select %and3A_81, %sub3A_83, %broadcast_in_dim3A_85 : vector<16xi1>, vector<16xi32>
        %jit3A_87 = arith.constant 0.000000e+00 : f32
        %broadcast_in_dim3A_88 = vector.broadcast %jit3A_87 : f32 to vector<16xf32>
        %select_n3A_89 = arith.select %and3A_81, %get3A_75, %broadcast_in_dim3A_88 : vector<16xi1>, vector<16xf32>
        %slice3A = vector.extract_strided_slice %select_n3A_86 {offsets = [0], sizes = [1], strides = [1]} : vector<16xi32> to vector<1xi32>
        %squeeze3A = vector.extract %slice3A[0] : i32 from vector<1xi32>
        %slice3A_90 = vector.extract_strided_slice %select_n3A_89 {offsets = [0], sizes = [1], strides = [1]} : vector<16xf32> to vector<1xf32>
        %squeeze3A_91 = vector.extract %slice3A_90[0] : f32 from vector<1xf32>
        %mul3A_92 = arith.constant 16 : i32
        %mul3A_93 = arith.muli %scan3A_66, %mul3A_92 : i32
        %add3A_94 = arith.constant 0 : i32
        %add3A_95 = arith.addi %mul3A_93, %add3A_94 : i32
        %get3A_96 = arith.index_cast %squeeze3A : i32 to index
        %get3A_97 = arith.constant 0 : index
        %get3A_98 = tpu.vector_load %arg11[%get3A_96, %get3A_97] {strides = array<i32>} : memref<5000x16xf32, #tpu.memory_space<vmem>>, vector<1x16xf32>,
        %get3A_99 = vector.shape_cast %get3A_98 : vector<1x16xf32> to vector<16xf32>
        %get3A_100 = arith.index_cast %add3A_95 : i32 to index
        %get3A_101 = arith.constant 0 : index
        %get3A_102 = tpu.vector_load %arg10[%get3A_100, %get3A_101] {strides = array<i32>} : memref<1600x16xf32, #tpu.memory_space<vmem>>, vector<1x16xf32>,
        %get3A_103 = vector.shape_cast %get3A_102 : vector<1x16xf32> to vector<16xf32>
        %mul3A_104 = vector.broadcast %squeeze3A_91 : f32 to vector<16xf32>
        %mul3A_105 = arith.mulf %get3A_103, %mul3A_104 : vector<16xf32>
        %max3A = arith.maximumf %get3A_99, %mul3A_105 : vector<16xf32>
        %swap3A = arith.index_cast %squeeze3A : i32 to index
        %swap3A_106 = arith.constant 0 : index
        %swap3A_107 = tpu.vector_load %arg11[%swap3A, %swap3A_106] {strides = array<i32>} : memref<5000x16xf32, #tpu.memory_space<vmem>>, vector<1x16xf32>,
        %swap3A_108 = vector.shape_cast %swap3A_107 : vector<1x16xf32> to vector<16xf32>
        %swap3A_109 = vector.shape_cast %max3A : vector<16xf32> to vector<1x16xf32>
        tpu.vector_store %arg11[%swap3A, %swap3A_106], %swap3A_109 {strides = array<i32>} : memref<5000x16xf32, #tpu.memory_space<vmem>>, vector<1x16xf32>,
        %slice3A_110 = vector.extract_strided_slice %select_n3A_86 {offsets = [1], sizes = [1], strides = [1]} : vector<16xi32> to vector<1xi32>
        %squeeze3A_111 = vector.extract %slice3A_110[0] : i32 from vector<1xi32>
        %slice3A_112 = vector.extract_strided_slice %select_n3A_89 {offsets = [1], sizes = [1], strides = [1]} : vector<16xf32> to vector<1xf32>
        %squeeze3A_113 = vector.extract %slice3A_112[0] : f32 from vector<1xf32>
        %mul3A_114 = arith.constant 16 : i32
        %mul3A_115 = arith.muli %scan3A_66, %mul3A_114 : i32
        %add3A_116 = arith.constant 1 : i32
        %add3A_117 = arith.addi %mul3A_115, %add3A_116 : i32
        %get3A_118 = arith.index_cast %squeeze3A_111 : i32 to index
        %get3A_119 = arith.constant 0 : index
        %get3A_120 = tpu.vector_load %arg11[%get3A_118, %get3A_119] {strides = array<i32>} : memref<5000x16xf32, #tpu.memory_space<vmem>>, vector<1x16xf32>,
        %get3A_121 = vector.shape_cast %get3A_120 : vector<1x16xf32> to vector<16xf32>
        %get3A_122 = arith.index_cast %add3A_117 : i32 to index
        %get3A_123 = arith.constant 0 : index
        %get3A_124 = tpu.vector_load %arg10[%get3A_122, %get3A_123] {strides = array<i32>} : memref<1600x16xf32, #tpu.memory_space<vmem>>, vector<1x16xf32>,
        %get3A_125 = vector.shape_cast %get3A_124 : vector<1x16xf32> to vector<16xf32>
        %mul3A_126 = vector.broadcast %squeeze3A_113 : f32 to vector<16xf32>
        %mul3A_127 = arith.mulf %get3A_125, %mul3A_126 : vector<16xf32>
        %max3A_128 = arith.maximumf %get3A_121, %mul3A_127 : vector<16xf32>
        %swap3A_129 = arith.index_cast %squeeze3A_111 : i32 to index
        %swap3A_130 = arith.constant 0 : index
        %swap3A_131 = tpu.vector_load %arg11[%swap3A_129, %swap3A_130] {strides = array<i32>} : memref<5000x16xf32, #tpu.memory_space<vmem>>, vector<1x16xf32>,
        %swap3A_132 = vector.shape_cast %swap3A_131 : vector<1x16xf32> to vector<16xf32>
        %swap3A_133 = vector.shape_cast %max3A_128 : vector<16xf32> to vector<1x16xf32>
        tpu.vector_store %arg11[%swap3A_129, %swap3A_130], %swap3A_133 {strides = array<i32>} : memref<5000x16xf32, #tpu.memory_space<vmem>>, vector<1x16xf32>,
        %slice3A_134 = vector.extract_strided_slice %select_n3A_86 {offsets = [2], sizes = [1], strides = [1]} : vector<16xi32> to vector<1xi32>
        %squeeze3A_135 = vector.extract %slice3A_134[0] : i32 from vector<1xi32>
        %slice3A_136 = vector.extract_strided_slice %select_n3A_89 {offsets = [2], sizes = [1], strides = [1]} : vector<16xf32> to vector<1xf32>
        %squeeze3A_137 = vector.extract %slice3A_136[0] : f32 from vector<1xf32>
        %mul3A_138 = arith.constant 16 : i32
        %mul3A_139 = arith.muli %scan3A_66, %mul3A_138 : i32
        %add3A_140 = arith.constant 2 : i32
        %add3A_141 = arith.addi %mul3A_139, %add3A_140 : i32
        %get3A_142 = arith.index_cast %squeeze3A_135 : i32 to index
        %get3A_143 = arith.constant 0 : index
        %get3A_144 = tpu.vector_load %arg11[%get3A_142, %get3A_143] {strides = array<i32>} : memref<5000x16xf32, #tpu.memory_space<vmem>>, vector<1x16xf32>,
        %get3A_145 = vector.shape_cast %get3A_144 : vector<1x16xf32> to vector<16xf32>
        %get3A_146 = arith.index_cast %add3A_141 : i32 to index
        %get3A_147 = arith.constant 0 : index
        %get3A_148 = tpu.vector_load %arg10[%get3A_146, %get3A_147] {strides = array<i32>} : memref<1600x16xf32, #tpu.memory_space<vmem>>, vector<1x16xf32>,
        %get3A_149 = vector.shape_cast %get3A_148 : vector<1x16xf32> to vector<16xf32>
        %mul3A_150 = vector.broadcast %squeeze3A_137 : f32 to vector<16xf32>
        %mul3A_151 = arith.mulf %get3A_149, %mul3A_150 : vector<16xf32>
        %max3A_152 = arith.maximumf %get3A_145, %mul3A_151 : vector<16xf32>
        %swap3A_153 = arith.index_cast %squeeze3A_135 : i32 to index
        %swap3A_154 = arith.constant 0 : index
        %swap3A_155 = tpu.vector_load %arg11[%swap3A_153, %swap3A_154] {strides = array<i32>} : memref<5000x16xf32, #tpu.memory_space<vmem>>, vector<1x16xf32>,
        %swap3A_156 = vector.shape_cast %swap3A_155 : vector<1x16xf32> to vector<16xf32>
        %swap3A_157 = vector.shape_cast %max3A_152 : vector<16xf32> to vector<1x16xf32>
        tpu.vector_store %arg11[%swap3A_153, %swap3A_154], %swap3A_157 {strides = array<i32>} : memref<5000x16xf32, #tpu.memory_space<vmem>>, vector<1x16xf32>,
        %slice3A_158 = vector.extract_strided_slice %select_n3A_86 {offsets = [3], sizes = [1], strides = [1]} : vector<16xi32> to vector<1xi32>
        %squeeze3A_159 = vector.extract %slice3A_158[0] : i32 from vector<1xi32>
        %slice3A_160 = vector.extract_strided_slice %select_n3A_89 {offsets = [3], sizes = [1], strides = [1]} : vector<16xf32> to vector<1xf32>
        %squeeze3A_161 = vector.extract %slice3A_160[0] : f32 from vector<1xf32>
        %mul3A_162 = arith.constant 16 : i32
        %mul3A_163 = arith.muli %scan3A_66, %mul3A_162 : i32
        %add3A_164 = arith.constant 3 : i32
        %add3A_165 = arith.addi %mul3A_163, %add3A_164 : i32
        %get3A_166 = arith.index_cast %squeeze3A_159 : i32 to index
        %get3A_167 = arith.constant 0 : index
        %get3A_168 = tpu.vector_load %arg11[%get3A_166, %get3A_167] {strides = array<i32>} : memref<5000x16xf32, #tpu.memory_space<vmem>>, vector<1x16xf32>,
        %get3A_169 = vector.shape_cast %get3A_168 : vector<1x16xf32> to vector<16xf32>
        %get3A_170 = arith.index_cast %add3A_165 : i32 to index
        %get3A_171 = arith.constant 0 : index
        %get3A_172 = tpu.vector_load %arg10[%get3A_170, %get3A_171] {strides = array<i32>} : memref<1600x16xf32, #tpu.memory_space<vmem>>, vector<1x16xf32>,
        %get3A_173 = vector.shape_cast %get3A_172 : vector<1x16xf32> to vector<16xf32>
        %mul3A_174 = vector.broadcast %squeeze3A_161 : f32 to vector<16xf32>
        %mul3A_175 = arith.mulf %get3A_173, %mul3A_174 : vector<16xf32>
        %max3A_176 = arith.maximumf %get3A_169, %mul3A_175 : vector<16xf32>
        %swap3A_177 = arith.index_cast %squeeze3A_159 : i32 to index
        %swap3A_178 = arith.constant 0 : index
        %swap3A_179 = tpu.vector_load %arg11[%swap3A_177, %swap3A_178] {strides = array<i32>} : memref<5000x16xf32, #tpu.memory_space<vmem>>, vector<1x16xf32>,
        %swap3A_180 = vector.shape_cast %swap3A_179 : vector<1x16xf32> to vector<16xf32>
        %swap3A_181 = vector.shape_cast %max3A_176 : vector<16xf32> to vector<1x16xf32>
        tpu.vector_store %arg11[%swap3A_177, %swap3A_178], %swap3A_181 {strides = array<i32>} : memref<5000x16xf32, #tpu.memory_space<vmem>>, vector<1x16xf32>,
        %slice3A_182 = vector.extract_strided_slice %select_n3A_86 {offsets = [4], sizes = [1], strides = [1]} : vector<16xi32> to vector<1xi32>
        %squeeze3A_183 = vector.extract %slice3A_182[0] : i32 from vector<1xi32>
        %slice3A_184 = vector.extract_strided_slice %select_n3A_89 {offsets = [4], sizes = [1], strides = [1]} : vector<16xf32> to vector<1xf32>
        %squeeze3A_185 = vector.extract %slice3A_184[0] : f32 from vector<1xf32>
        %mul3A_186 = arith.constant 16 : i32
        %mul3A_187 = arith.muli %scan3A_66, %mul3A_186 : i32
        %add3A_188 = arith.constant 4 : i32
        %add3A_189 = arith.addi %mul3A_187, %add3A_188 : i32
        %get3A_190 = arith.index_cast %squeeze3A_183 : i32 to index
        %get3A_191 = arith.constant 0 : index
        %get3A_192 = tpu.vector_load %arg11[%get3A_190, %get3A_191] {strides = array<i32>} : memref<5000x16xf32, #tpu.memory_space<vmem>>, vector<1x16xf32>,
        %get3A_193 = vector.shape_cast %get3A_192 : vector<1x16xf32> to vector<16xf32>
        %get3A_194 = arith.index_cast %add3A_189 : i32 to index
        %get3A_195 = arith.constant 0 : index
        %get3A_196 = tpu.vector_load %arg10[%get3A_194, %get3A_195] {strides = array<i32>} : memref<1600x16xf32, #tpu.memory_space<vmem>>, vector<1x16xf32>,
        %get3A_197 = vector.shape_cast %get3A_196 : vector<1x16xf32> to vector<16xf32>
        %mul3A_198 = vector.broadcast %squeeze3A_185 : f32 to vector<16xf32>
        %mul3A_199 = arith.mulf %get3A_197, %mul3A_198 : vector<16xf32>
        %max3A_200 = arith.maximumf %get3A_193, %mul3A_199 : vector<16xf32>
        %swap3A_201 = arith.index_cast %squeeze3A_183 : i32 to index
        %swap3A_202 = arith.constant 0 : index
        %swap3A_203 = tpu.vector_load %arg11[%swap3A_201, %swap3A_202] {strides = array<i32>} : memref<5000x16xf32, #tpu.memory_space<vmem>>, vector<1x16xf32>,
        %swap3A_204 = vector.shape_cast %swap3A_203 : vector<1x16xf32> to vector<16xf32>
        %swap3A_205 = vector.shape_cast %max3A_200 : vector<16xf32> to vector<1x16xf32>
        tpu.vector_store %arg11[%swap3A_201, %swap3A_202], %swap3A_205 {strides = array<i32>} : memref<5000x16xf32, #tpu.memory_space<vmem>>, vector<1x16xf32>,
        %slice3A_206 = vector.extract_strided_slice %select_n3A_86 {offsets = [5], sizes = [1], strides = [1]} : vector<16xi32> to vector<1xi32>
        %squeeze3A_207 = vector.extract %slice3A_206[0] : i32 from vector<1xi32>
        %slice3A_208 = vector.extract_strided_slice %select_n3A_89 {offsets = [5], sizes = [1], strides = [1]} : vector<16xf32> to vector<1xf32>
        %squeeze3A_209 = vector.extract %slice3A_208[0] : f32 from vector<1xf32>
        %mul3A_210 = arith.constant 16 : i32
        %mul3A_211 = arith.muli %scan3A_66, %mul3A_210 : i32
        %add3A_212 = arith.constant 5 : i32
        %add3A_213 = arith.addi %mul3A_211, %add3A_212 : i32
        %get3A_214 = arith.index_cast %squeeze3A_207 : i32 to index
        %get3A_215 = arith.constant 0 : index
        %get3A_216 = tpu.vector_load %arg11[%get3A_214, %get3A_215] {strides = array<i32>} : memref<5000x16xf32, #tpu.memory_space<vmem>>, vector<1x16xf32>,
        %get3A_217 = vector.shape_cast %get3A_216 : vector<1x16xf32> to vector<16xf32>
        %get3A_218 = arith.index_cast %add3A_213 : i32 to index
        %get3A_219 = arith.constant 0 : index
        %get3A_220 = tpu.vector_load %arg10[%get3A_218, %get3A_219] {strides = array<i32>} : memref<1600x16xf32, #tpu.memory_space<vmem>>, vector<1x16xf32>,
        %get3A_221 = vector.shape_cast %get3A_220 : vector<1x16xf32> to vector<16xf32>
        %mul3A_222 = vector.broadcast %squeeze3A_209 : f32 to vector<16xf32>
        %mul3A_223 = arith.mulf %get3A_221, %mul3A_222 : vector<16xf32>
        %max3A_224 = arith.maximumf %get3A_217, %mul3A_223 : vector<16xf32>
        %swap3A_225 = arith.index_cast %squeeze3A_207 : i32 to index
        %swap3A_226 = arith.constant 0 : index
        %swap3A_227 = tpu.vector_load %arg11[%swap3A_225, %swap3A_226] {strides = array<i32>} : memref<5000x16xf32, #tpu.memory_space<vmem>>, vector<1x16xf32>,
        %swap3A_228 = vector.shape_cast %swap3A_227 : vector<1x16xf32> to vector<16xf32>
        %swap3A_229 = vector.shape_cast %max3A_224 : vector<16xf32> to vector<1x16xf32>
        tpu.vector_store %arg11[%swap3A_225, %swap3A_226], %swap3A_229 {strides = array<i32>} : memref<5000x16xf32, #tpu.memory_space<vmem>>, vector<1x16xf32>,
        %slice3A_230 = vector.extract_strided_slice %select_n3A_86 {offsets = [6], sizes = [1], strides = [1]} : vector<16xi32> to vector<1xi32>
        %squeeze3A_231 = vector.extract %slice3A_230[0] : i32 from vector<1xi32>
        %slice3A_232 = vector.extract_strided_slice %select_n3A_89 {offsets = [6], sizes = [1], strides = [1]} : vector<16xf32> to vector<1xf32>
        %squeeze3A_233 = vector.extract %slice3A_232[0] : f32 from vector<1xf32>
        %mul3A_234 = arith.constant 16 : i32
        %mul3A_235 = arith.muli %scan3A_66, %mul3A_234 : i32
        %add3A_236 = arith.constant 6 : i32
        %add3A_237 = arith.addi %mul3A_235, %add3A_236 : i32
        %get3A_238 = arith.index_cast %squeeze3A_231 : i32 to index
        %get3A_239 = arith.constant 0 : index
        %get3A_240 = tpu.vector_load %arg11[%get3A_238, %get3A_239] {strides = array<i32>} : memref<5000x16xf32, #tpu.memory_space<vmem>>, vector<1x16xf32>,
        %get3A_241 = vector.shape_cast %get3A_240 : vector<1x16xf32> to vector<16xf32>
        %get3A_242 = arith.index_cast %add3A_237 : i32 to index
        %get3A_243 = arith.constant 0 : index
        %get3A_244 = tpu.vector_load %arg10[%get3A_242, %get3A_243] {strides = array<i32>} : memref<1600x16xf32, #tpu.memory_space<vmem>>, vector<1x16xf32>,
        %get3A_245 = vector.shape_cast %get3A_244 : vector<1x16xf32> to vector<16xf32>
        %mul3A_246 = vector.broadcast %squeeze3A_233 : f32 to vector<16xf32>
        %mul3A_247 = arith.mulf %get3A_245, %mul3A_246 : vector<16xf32>
        %max3A_248 = arith.maximumf %get3A_241, %mul3A_247 : vector<16xf32>
        %swap3A_249 = arith.index_cast %squeeze3A_231 : i32 to index
        %swap3A_250 = arith.constant 0 : index
        %swap3A_251 = tpu.vector_load %arg11[%swap3A_249, %swap3A_250] {strides = array<i32>} : memref<5000x16xf32, #tpu.memory_space<vmem>>, vector<1x16xf32>,
        %swap3A_252 = vector.shape_cast %swap3A_251 : vector<1x16xf32> to vector<16xf32>
        %swap3A_253 = vector.shape_cast %max3A_248 : vector<16xf32> to vector<1x16xf32>
        tpu.vector_store %arg11[%swap3A_249, %swap3A_250], %swap3A_253 {strides = array<i32>} : memref<5000x16xf32, #tpu.memory_space<vmem>>, vector<1x16xf32>,
        %slice3A_254 = vector.extract_strided_slice %select_n3A_86 {offsets = [7], sizes = [1], strides = [1]} : vector<16xi32> to vector<1xi32>
        %squeeze3A_255 = vector.extract %slice3A_254[0] : i32 from vector<1xi32>
        %slice3A_256 = vector.extract_strided_slice %select_n3A_89 {offsets = [7], sizes = [1], strides = [1]} : vector<16xf32> to vector<1xf32>
        %squeeze3A_257 = vector.extract %slice3A_256[0] : f32 from vector<1xf32>
        %mul3A_258 = arith.constant 16 : i32
        %mul3A_259 = arith.muli %scan3A_66, %mul3A_258 : i32
        %add3A_260 = arith.constant 7 : i32
        %add3A_261 = arith.addi %mul3A_259, %add3A_260 : i32
        %get3A_262 = arith.index_cast %squeeze3A_255 : i32 to index
        %get3A_263 = arith.constant 0 : index
        %get3A_264 = tpu.vector_load %arg11[%get3A_262, %get3A_263] {strides = array<i32>} : memref<5000x16xf32, #tpu.memory_space<vmem>>, vector<1x16xf32>,
        %get3A_265 = vector.shape_cast %get3A_264 : vector<1x16xf32> to vector<16xf32>
        %get3A_266 = arith.index_cast %add3A_261 : i32 to index
        %get3A_267 = arith.constant 0 : index
        %get3A_268 = tpu.vector_load %arg10[%get3A_266, %get3A_267] {strides = array<i32>} : memref<1600x16xf32, #tpu.memory_space<vmem>>, vector<1x16xf32>,
        %get3A_269 = vector.shape_cast %get3A_268 : vector<1x16xf32> to vector<16xf32>
        %mul3A_270 = vector.broadcast %squeeze3A_257 : f32 to vector<16xf32>
        %mul3A_271 = arith.mulf %get3A_269, %mul3A_270 : vector<16xf32>
        %max3A_272 = arith.maximumf %get3A_265, %mul3A_271 : vector<16xf32>
        %swap3A_273 = arith.index_cast %squeeze3A_255 : i32 to index
        %swap3A_274 = arith.constant 0 : index
        %swap3A_275 = tpu.vector_load %arg11[%swap3A_273, %swap3A_274] {strides = array<i32>} : memref<5000x16xf32, #tpu.memory_space<vmem>>, vector<1x16xf32>,
        %swap3A_276 = vector.shape_cast %swap3A_275 : vector<1x16xf32> to vector<16xf32>
        %swap3A_277 = vector.shape_cast %max3A_272 : vector<16xf32> to vector<1x16xf32>
        tpu.vector_store %arg11[%swap3A_273, %swap3A_274], %swap3A_277 {strides = array<i32>} : memref<5000x16xf32, #tpu.memory_space<vmem>>, vector<1x16xf32>,
        %slice3A_278 = vector.extract_strided_slice %select_n3A_86 {offsets = [8], sizes = [1], strides = [1]} : vector<16xi32> to vector<1xi32>
        %squeeze3A_279 = vector.extract %slice3A_278[0] : i32 from vector<1xi32>
        %slice3A_280 = vector.extract_strided_slice %select_n3A_89 {offsets = [8], sizes = [1], strides = [1]} : vector<16xf32> to vector<1xf32>
        %squeeze3A_281 = vector.extract %slice3A_280[0] : f32 from vector<1xf32>
        %mul3A_282 = arith.constant 16 : i32
        %mul3A_283 = arith.muli %scan3A_66, %mul3A_282 : i32
        %add3A_284 = arith.constant 8 : i32
        %add3A_285 = arith.addi %mul3A_283, %add3A_284 : i32
        %get3A_286 = arith.index_cast %squeeze3A_279 : i32 to index
        %get3A_287 = arith.constant 0 : index
        %get3A_288 = tpu.vector_load %arg11[%get3A_286, %get3A_287] {strides = array<i32>} : memref<5000x16xf32, #tpu.memory_space<vmem>>, vector<1x16xf32>,
        %get3A_289 = vector.shape_cast %get3A_288 : vector<1x16xf32> to vector<16xf32>
        %get3A_290 = arith.index_cast %add3A_285 : i32 to index
        %get3A_291 = arith.constant 0 : index
        %get3A_292 = tpu.vector_load %arg10[%get3A_290, %get3A_291] {strides = array<i32>} : memref<1600x16xf32, #tpu.memory_space<vmem>>, vector<1x16xf32>,
        %get3A_293 = vector.shape_cast %get3A_292 : vector<1x16xf32> to vector<16xf32>
        %mul3A_294 = vector.broadcast %squeeze3A_281 : f32 to vector<16xf32>
        %mul3A_295 = arith.mulf %get3A_293, %mul3A_294 : vector<16xf32>
        %max3A_296 = arith.maximumf %get3A_289, %mul3A_295 : vector<16xf32>
        %swap3A_297 = arith.index_cast %squeeze3A_279 : i32 to index
        %swap3A_298 = arith.constant 0 : index
        %swap3A_299 = tpu.vector_load %arg11[%swap3A_297, %swap3A_298] {strides = array<i32>} : memref<5000x16xf32, #tpu.memory_space<vmem>>, vector<1x16xf32>,
        %swap3A_300 = vector.shape_cast %swap3A_299 : vector<1x16xf32> to vector<16xf32>
        %swap3A_301 = vector.shape_cast %max3A_296 : vector<16xf32> to vector<1x16xf32>
        tpu.vector_store %arg11[%swap3A_297, %swap3A_298], %swap3A_301 {strides = array<i32>} : memref<5000x16xf32, #tpu.memory_space<vmem>>, vector<1x16xf32>,
        %slice3A_302 = vector.extract_strided_slice %select_n3A_86 {offsets = [9], sizes = [1], strides = [1]} : vector<16xi32> to vector<1xi32>
        %squeeze3A_303 = vector.extract %slice3A_302[0] : i32 from vector<1xi32>
        %slice3A_304 = vector.extract_strided_slice %select_n3A_89 {offsets = [9], sizes = [1], strides = [1]} : vector<16xf32> to vector<1xf32>
        %squeeze3A_305 = vector.extract %slice3A_304[0] : f32 from vector<1xf32>
        %mul3A_306 = arith.constant 16 : i32
        %mul3A_307 = arith.muli %scan3A_66, %mul3A_306 : i32
        %add3A_308 = arith.constant 9 : i32
        %add3A_309 = arith.addi %mul3A_307, %add3A_308 : i32
        %get3A_310 = arith.index_cast %squeeze3A_303 : i32 to index
        %get3A_311 = arith.constant 0 : index
        %get3A_312 = tpu.vector_load %arg11[%get3A_310, %get3A_311] {strides = array<i32>} : memref<5000x16xf32, #tpu.memory_space<vmem>>, vector<1x16xf32>,
        %get3A_313 = vector.shape_cast %get3A_312 : vector<1x16xf32> to vector<16xf32>
        %get3A_314 = arith.index_cast %add3A_309 : i32 to index
        %get3A_315 = arith.constant 0 : index
        %get3A_316 = tpu.vector_load %arg10[%get3A_314, %get3A_315] {strides = array<i32>} : memref<1600x16xf32, #tpu.memory_space<vmem>>, vector<1x16xf32>,
        %get3A_317 = vector.shape_cast %get3A_316 : vector<1x16xf32> to vector<16xf32>
        %mul3A_318 = vector.broadcast %squeeze3A_305 : f32 to vector<16xf32>
        %mul3A_319 = arith.mulf %get3A_317, %mul3A_318 : vector<16xf32>
        %max3A_320 = arith.maximumf %get3A_313, %mul3A_319 : vector<16xf32>
        %swap3A_321 = arith.index_cast %squeeze3A_303 : i32 to index
        %swap3A_322 = arith.constant 0 : index
        %swap3A_323 = tpu.vector_load %arg11[%swap3A_321, %swap3A_322] {strides = array<i32>} : memref<5000x16xf32, #tpu.memory_space<vmem>>, vector<1x16xf32>,
        %swap3A_324 = vector.shape_cast %swap3A_323 : vector<1x16xf32> to vector<16xf32>
        %swap3A_325 = vector.shape_cast %max3A_320 : vector<16xf32> to vector<1x16xf32>
        tpu.vector_store %arg11[%swap3A_321, %swap3A_322], %swap3A_325 {strides = array<i32>} : memref<5000x16xf32, #tpu.memory_space<vmem>>, vector<1x16xf32>,
        %slice3A_326 = vector.extract_strided_slice %select_n3A_86 {offsets = [10], sizes = [1], strides = [1]} : vector<16xi32> to vector<1xi32>
        %squeeze3A_327 = vector.extract %slice3A_326[0] : i32 from vector<1xi32>
        %slice3A_328 = vector.extract_strided_slice %select_n3A_89 {offsets = [10], sizes = [1], strides = [1]} : vector<16xf32> to vector<1xf32>
        %squeeze3A_329 = vector.extract %slice3A_328[0] : f32 from vector<1xf32>
        %mul3A_330 = arith.constant 16 : i32
        %mul3A_331 = arith.muli %scan3A_66, %mul3A_330 : i32
        %add3A_332 = arith.constant 10 : i32
        %add3A_333 = arith.addi %mul3A_331, %add3A_332 : i32
        %get3A_334 = arith.index_cast %squeeze3A_327 : i32 to index
        %get3A_335 = arith.constant 0 : index
        %get3A_336 = tpu.vector_load %arg11[%get3A_334, %get3A_335] {strides = array<i32>} : memref<5000x16xf32, #tpu.memory_space<vmem>>, vector<1x16xf32>,
        %get3A_337 = vector.shape_cast %get3A_336 : vector<1x16xf32> to vector<16xf32>
        %get3A_338 = arith.index_cast %add3A_333 : i32 to index
        %get3A_339 = arith.constant 0 : index
        %get3A_340 = tpu.vector_load %arg10[%get3A_338, %get3A_339] {strides = array<i32>} : memref<1600x16xf32, #tpu.memory_space<vmem>>, vector<1x16xf32>,
        %get3A_341 = vector.shape_cast %get3A_340 : vector<1x16xf32> to vector<16xf32>
        %mul3A_342 = vector.broadcast %squeeze3A_329 : f32 to vector<16xf32>
        %mul3A_343 = arith.mulf %get3A_341, %mul3A_342 : vector<16xf32>
        %max3A_344 = arith.maximumf %get3A_337, %mul3A_343 : vector<16xf32>
        %swap3A_345 = arith.index_cast %squeeze3A_327 : i32 to index
        %swap3A_346 = arith.constant 0 : index
        %swap3A_347 = tpu.vector_load %arg11[%swap3A_345, %swap3A_346] {strides = array<i32>} : memref<5000x16xf32, #tpu.memory_space<vmem>>, vector<1x16xf32>,
        %swap3A_348 = vector.shape_cast %swap3A_347 : vector<1x16xf32> to vector<16xf32>
        %swap3A_349 = vector.shape_cast %max3A_344 : vector<16xf32> to vector<1x16xf32>
        tpu.vector_store %arg11[%swap3A_345, %swap3A_346], %swap3A_349 {strides = array<i32>} : memref<5000x16xf32, #tpu.memory_space<vmem>>, vector<1x16xf32>,
        %slice3A_350 = vector.extract_strided_slice %select_n3A_86 {offsets = [11], sizes = [1], strides = [1]} : vector<16xi32> to vector<1xi32>
        %squeeze3A_351 = vector.extract %slice3A_350[0] : i32 from vector<1xi32>
        %slice3A_352 = vector.extract_strided_slice %select_n3A_89 {offsets = [11], sizes = [1], strides = [1]} : vector<16xf32> to vector<1xf32>
        %squeeze3A_353 = vector.extract %slice3A_352[0] : f32 from vector<1xf32>
        %mul3A_354 = arith.constant 16 : i32
        %mul3A_355 = arith.muli %scan3A_66, %mul3A_354 : i32
        %add3A_356 = arith.constant 11 : i32
        %add3A_357 = arith.addi %mul3A_355, %add3A_356 : i32
        %get3A_358 = arith.index_cast %squeeze3A_351 : i32 to index
        %get3A_359 = arith.constant 0 : index
        %get3A_360 = tpu.vector_load %arg11[%get3A_358, %get3A_359] {strides = array<i32>} : memref<5000x16xf32, #tpu.memory_space<vmem>>, vector<1x16xf32>,
        %get3A_361 = vector.shape_cast %get3A_360 : vector<1x16xf32> to vector<16xf32>
        %get3A_362 = arith.index_cast %add3A_357 : i32 to index
        %get3A_363 = arith.constant 0 : index
        %get3A_364 = tpu.vector_load %arg10[%get3A_362, %get3A_363] {strides = array<i32>} : memref<1600x16xf32, #tpu.memory_space<vmem>>, vector<1x16xf32>,
        %get3A_365 = vector.shape_cast %get3A_364 : vector<1x16xf32> to vector<16xf32>
        %mul3A_366 = vector.broadcast %squeeze3A_353 : f32 to vector<16xf32>
        %mul3A_367 = arith.mulf %get3A_365, %mul3A_366 : vector<16xf32>
        %max3A_368 = arith.maximumf %get3A_361, %mul3A_367 : vector<16xf32>
        %swap3A_369 = arith.index_cast %squeeze3A_351 : i32 to index
        %swap3A_370 = arith.constant 0 : index
        %swap3A_371 = tpu.vector_load %arg11[%swap3A_369, %swap3A_370] {strides = array<i32>} : memref<5000x16xf32, #tpu.memory_space<vmem>>, vector<1x16xf32>,
        %swap3A_372 = vector.shape_cast %swap3A_371 : vector<1x16xf32> to vector<16xf32>
        %swap3A_373 = vector.shape_cast %max3A_368 : vector<16xf32> to vector<1x16xf32>
        tpu.vector_store %arg11[%swap3A_369, %swap3A_370], %swap3A_373 {strides = array<i32>} : memref<5000x16xf32, #tpu.memory_space<vmem>>, vector<1x16xf32>,
        %slice3A_374 = vector.extract_strided_slice %select_n3A_86 {offsets = [12], sizes = [1], strides = [1]} : vector<16xi32> to vector<1xi32>
        %squeeze3A_375 = vector.extract %slice3A_374[0] : i32 from vector<1xi32>
        %slice3A_376 = vector.extract_strided_slice %select_n3A_89 {offsets = [12], sizes = [1], strides = [1]} : vector<16xf32> to vector<1xf32>
        %squeeze3A_377 = vector.extract %slice3A_376[0] : f32 from vector<1xf32>
        %mul3A_378 = arith.constant 16 : i32
        %mul3A_379 = arith.muli %scan3A_66, %mul3A_378 : i32
        %add3A_380 = arith.constant 12 : i32
        %add3A_381 = arith.addi %mul3A_379, %add3A_380 : i32
        %get3A_382 = arith.index_cast %squeeze3A_375 : i32 to index
        %get3A_383 = arith.constant 0 : index
        %get3A_384 = tpu.vector_load %arg11[%get3A_382, %get3A_383] {strides = array<i32>} : memref<5000x16xf32, #tpu.memory_space<vmem>>, vector<1x16xf32>,
        %get3A_385 = vector.shape_cast %get3A_384 : vector<1x16xf32> to vector<16xf32>
        %get3A_386 = arith.index_cast %add3A_381 : i32 to index
        %get3A_387 = arith.constant 0 : index
        %get3A_388 = tpu.vector_load %arg10[%get3A_386, %get3A_387] {strides = array<i32>} : memref<1600x16xf32, #tpu.memory_space<vmem>>, vector<1x16xf32>,
        %get3A_389 = vector.shape_cast %get3A_388 : vector<1x16xf32> to vector<16xf32>
        %mul3A_390 = vector.broadcast %squeeze3A_377 : f32 to vector<16xf32>
        %mul3A_391 = arith.mulf %get3A_389, %mul3A_390 : vector<16xf32>
        %max3A_392 = arith.maximumf %get3A_385, %mul3A_391 : vector<16xf32>
        %swap3A_393 = arith.index_cast %squeeze3A_375 : i32 to index
        %swap3A_394 = arith.constant 0 : index
        %swap3A_395 = tpu.vector_load %arg11[%swap3A_393, %swap3A_394] {strides = array<i32>} : memref<5000x16xf32, #tpu.memory_space<vmem>>, vector<1x16xf32>,
        %swap3A_396 = vector.shape_cast %swap3A_395 : vector<1x16xf32> to vector<16xf32>
        %swap3A_397 = vector.shape_cast %max3A_392 : vector<16xf32> to vector<1x16xf32>
        tpu.vector_store %arg11[%swap3A_393, %swap3A_394], %swap3A_397 {strides = array<i32>} : memref<5000x16xf32, #tpu.memory_space<vmem>>, vector<1x16xf32>,
        %slice3A_398 = vector.extract_strided_slice %select_n3A_86 {offsets = [13], sizes = [1], strides = [1]} : vector<16xi32> to vector<1xi32>
        %squeeze3A_399 = vector.extract %slice3A_398[0] : i32 from vector<1xi32>
        %slice3A_400 = vector.extract_strided_slice %select_n3A_89 {offsets = [13], sizes = [1], strides = [1]} : vector<16xf32> to vector<1xf32>
        %squeeze3A_401 = vector.extract %slice3A_400[0] : f32 from vector<1xf32>
        %mul3A_402 = arith.constant 16 : i32
        %mul3A_403 = arith.muli %scan3A_66, %mul3A_402 : i32
        %add3A_404 = arith.constant 13 : i32
        %add3A_405 = arith.addi %mul3A_403, %add3A_404 : i32
        %get3A_406 = arith.index_cast %squeeze3A_399 : i32 to index
        %get3A_407 = arith.constant 0 : index
        %get3A_408 = tpu.vector_load %arg11[%get3A_406, %get3A_407] {strides = array<i32>} : memref<5000x16xf32, #tpu.memory_space<vmem>>, vector<1x16xf32>,
        %get3A_409 = vector.shape_cast %get3A_408 : vector<1x16xf32> to vector<16xf32>
        %get3A_410 = arith.index_cast %add3A_405 : i32 to index
        %get3A_411 = arith.constant 0 : index
        %get3A_412 = tpu.vector_load %arg10[%get3A_410, %get3A_411] {strides = array<i32>} : memref<1600x16xf32, #tpu.memory_space<vmem>>, vector<1x16xf32>,
        %get3A_413 = vector.shape_cast %get3A_412 : vector<1x16xf32> to vector<16xf32>
        %mul3A_414 = vector.broadcast %squeeze3A_401 : f32 to vector<16xf32>
        %mul3A_415 = arith.mulf %get3A_413, %mul3A_414 : vector<16xf32>
        %max3A_416 = arith.maximumf %get3A_409, %mul3A_415 : vector<16xf32>
        %swap3A_417 = arith.index_cast %squeeze3A_399 : i32 to index
        %swap3A_418 = arith.constant 0 : index
        %swap3A_419 = tpu.vector_load %arg11[%swap3A_417, %swap3A_418] {strides = array<i32>} : memref<5000x16xf32, #tpu.memory_space<vmem>>, vector<1x16xf32>,
        %swap3A_420 = vector.shape_cast %swap3A_419 : vector<1x16xf32> to vector<16xf32>
        %swap3A_421 = vector.shape_cast %max3A_416 : vector<16xf32> to vector<1x16xf32>
        tpu.vector_store %arg11[%swap3A_417, %swap3A_418], %swap3A_421 {strides = array<i32>} : memref<5000x16xf32, #tpu.memory_space<vmem>>, vector<1x16xf32>,
        %slice3A_422 = vector.extract_strided_slice %select_n3A_86 {offsets = [14], sizes = [1], strides = [1]} : vector<16xi32> to vector<1xi32>
        %squeeze3A_423 = vector.extract %slice3A_422[0] : i32 from vector<1xi32>
        %slice3A_424 = vector.extract_strided_slice %select_n3A_89 {offsets = [14], sizes = [1], strides = [1]} : vector<16xf32> to vector<1xf32>
        %squeeze3A_425 = vector.extract %slice3A_424[0] : f32 from vector<1xf32>
        %mul3A_426 = arith.constant 16 : i32
        %mul3A_427 = arith.muli %scan3A_66, %mul3A_426 : i32
        %add3A_428 = arith.constant 14 : i32
        %add3A_429 = arith.addi %mul3A_427, %add3A_428 : i32
        %get3A_430 = arith.index_cast %squeeze3A_423 : i32 to index
        %get3A_431 = arith.constant 0 : index
        %get3A_432 = tpu.vector_load %arg11[%get3A_430, %get3A_431] {strides = array<i32>} : memref<5000x16xf32, #tpu.memory_space<vmem>>, vector<1x16xf32>,
        %get3A_433 = vector.shape_cast %get3A_432 : vector<1x16xf32> to vector<16xf32>
        %get3A_434 = arith.index_cast %add3A_429 : i32 to index
        %get3A_435 = arith.constant 0 : index
        %get3A_436 = tpu.vector_load %arg10[%get3A_434, %get3A_435] {strides = array<i32>} : memref<1600x16xf32, #tpu.memory_space<vmem>>, vector<1x16xf32>,
        %get3A_437 = vector.shape_cast %get3A_436 : vector<1x16xf32> to vector<16xf32>
        %mul3A_438 = vector.broadcast %squeeze3A_425 : f32 to vector<16xf32>
        %mul3A_439 = arith.mulf %get3A_437, %mul3A_438 : vector<16xf32>
        %max3A_440 = arith.maximumf %get3A_433, %mul3A_439 : vector<16xf32>
        %swap3A_441 = arith.index_cast %squeeze3A_423 : i32 to index
        %swap3A_442 = arith.constant 0 : index
        %swap3A_443 = tpu.vector_load %arg11[%swap3A_441, %swap3A_442] {strides = array<i32>} : memref<5000x16xf32, #tpu.memory_space<vmem>>, vector<1x16xf32>,
        %swap3A_444 = vector.shape_cast %swap3A_443 : vector<1x16xf32> to vector<16xf32>
        %swap3A_445 = vector.shape_cast %max3A_440 : vector<16xf32> to vector<1x16xf32>
        tpu.vector_store %arg11[%swap3A_441, %swap3A_442], %swap3A_445 {strides = array<i32>} : memref<5000x16xf32, #tpu.memory_space<vmem>>, vector<1x16xf32>,
        %slice3A_446 = vector.extract_strided_slice %select_n3A_86 {offsets = [15], sizes = [1], strides = [1]} : vector<16xi32> to vector<1xi32>
        %squeeze3A_447 = vector.extract %slice3A_446[0] : i32 from vector<1xi32>
        %slice3A_448 = vector.extract_strided_slice %select_n3A_89 {offsets = [15], sizes = [1], strides = [1]} : vector<16xf32> to vector<1xf32>
        %squeeze3A_449 = vector.extract %slice3A_448[0] : f32 from vector<1xf32>
        %mul3A_450 = arith.constant 16 : i32
        %mul3A_451 = arith.muli %scan3A_66, %mul3A_450 : i32
        %add3A_452 = arith.constant 15 : i32
        %add3A_453 = arith.addi %mul3A_451, %add3A_452 : i32
        %get3A_454 = arith.index_cast %squeeze3A_447 : i32 to index
        %get3A_455 = arith.constant 0 : index
        %get3A_456 = tpu.vector_load %arg11[%get3A_454, %get3A_455] {strides = array<i32>} : memref<5000x16xf32, #tpu.memory_space<vmem>>, vector<1x16xf32>,
        %get3A_457 = vector.shape_cast %get3A_456 : vector<1x16xf32> to vector<16xf32>
        %get3A_458 = arith.index_cast %add3A_453 : i32 to index
        %get3A_459 = arith.constant 0 : index
        %get3A_460 = tpu.vector_load %arg10[%get3A_458, %get3A_459] {strides = array<i32>} : memref<1600x16xf32, #tpu.memory_space<vmem>>, vector<1x16xf32>,
        %get3A_461 = vector.shape_cast %get3A_460 : vector<1x16xf32> to vector<16xf32>
        %mul3A_462 = vector.broadcast %squeeze3A_449 : f32 to vector<16xf32>
        %mul3A_463 = arith.mulf %get3A_461, %mul3A_462 : vector<16xf32>
        %max3A_464 = arith.maximumf %get3A_457, %mul3A_463 : vector<16xf32>
        %swap3A_465 = arith.index_cast %squeeze3A_447 : i32 to index
        %swap3A_466 = arith.constant 0 : index
        %swap3A_467 = tpu.vector_load %arg11[%swap3A_465, %swap3A_466] {strides = array<i32>} : memref<5000x16xf32, #tpu.memory_space<vmem>>, vector<1x16xf32>,
        %swap3A_468 = vector.shape_cast %swap3A_467 : vector<1x16xf32> to vector<16xf32>
        %swap3A_469 = vector.shape_cast %max3A_464 : vector<16xf32> to vector<1x16xf32>
        tpu.vector_store %arg11[%swap3A_465, %swap3A_466], %swap3A_469 {strides = array<i32>} : memref<5000x16xf32, #tpu.memory_space<vmem>>, vector<1x16xf32>,
      }
      %scan3A_65 = arith.constant 100 : i32
    }
    %scan3A_43 = arith.constant 100 : i32
    "tpu.region"() ({
      %run_scoped3A = tpu.sem_alloc : memref<!tpu.dma_semaphore, #tpu.memory_space<semaphore_mem>>
      %dma_start3A = arith.constant 0 : i32
      %dma_start3A_44 = tpu.memref_slice %arg6[%arg0, %select_n3A_7, %mul3A_29, %dma_start3A] : memref<2x8x10000x16xf32, #tpu.memory_space<hbm>> -> memref<1x1x5000x16xf32, #tpu.memory_space<hbm>>
      %dma_start3A_45 = tpu.memref_squeeze %dma_start3A_44 : memref<1x1x5000x16xf32, #tpu.memory_space<hbm>> -> memref<5000x16xf32, #tpu.memory_space<hbm>>
      %dma_start3A_46 = arith.constant 0 : i32
      %dma_start3A_47 = tpu.memref_slice %arg6[%arg0, %select_n3A_7, %mul3A_29, %dma_start3A_46] : memref<2x8x10000x16xf32, #tpu.memory_space<hbm>> -> memref<1x1x5000x16xf32, #tpu.memory_space<hbm>>
      %dma_start3A_48 = tpu.memref_squeeze %dma_start3A_47 : memref<1x1x5000x16xf32, #tpu.memory_space<hbm>> -> memref<5000x16xf32, #tpu.memory_space<hbm>>
      tpu.enqueue_dma source(%arg11 : memref<5000x16xf32, #tpu.memory_space<vmem>>) target(%dma_start3A_48 : memref<5000x16xf32, #tpu.memory_space<hbm>>) target_semaphore(%run_scoped3A : memref<!tpu.dma_semaphore, #tpu.memory_space<semaphore_mem>>)
      %dma_wait3A = arith.constant 0 : i32
      %dma_wait3A_49 = tpu.memref_slice %arg6[%arg0, %select_n3A_7, %mul3A_29, %dma_wait3A] : memref<2x8x10000x16xf32, #tpu.memory_space<hbm>> -> memref<1x1x5000x16xf32, #tpu.memory_space<hbm>>
      %dma_wait3A_50 = tpu.memref_squeeze %dma_wait3A_49 : memref<1x1x5000x16xf32, #tpu.memory_space<hbm>> -> memref<5000x16xf32, #tpu.memory_space<hbm>>
      %dma_wait3A_51 = arith.constant 0 : i32
      %dma_wait3A_52 = tpu.memref_slice %arg6[%arg0, %select_n3A_7, %mul3A_29, %dma_wait3A_51] : memref<2x8x10000x16xf32, #tpu.memory_space<hbm>> -> memref<1x1x5000x16xf32, #tpu.memory_space<hbm>>
      %dma_wait3A_53 = tpu.memref_squeeze %dma_wait3A_52 : memref<1x1x5000x16xf32, #tpu.memory_space<hbm>> -> memref<5000x16xf32, #tpu.memory_space<hbm>>
      tpu.wait_dma2 semaphore(%run_scoped3A : memref<!tpu.dma_semaphore, #tpu.memory_space<semaphore_mem>>) src(%arg11 : memref<5000x16xf32, #tpu.memory_space<vmem>>) dst(%dma_wait3A_53 : memref<5000x16xf32, #tpu.memory_space<hbm>>)
      tpu.yield
    }) : () -> ()
    return
  }
}

module attributes {stable_mosaic.version = 14 : i64} {
  func.func @_pool_body(%arg0: i32, %arg1: memref<1000x128xf32, #tpu.memory_space<vmem>>, %arg2: memref<128x128xf32, #tpu.memory_space<vmem>>, %arg3: memref<1x128xf32, #tpu.memory_space<vmem>>, %arg4: memref<1000x128xf32, #tpu.memory_space<vmem>>) attributes {dimension_semantics = [#tpu.dimension_semantics<arbitrary>], iteration_bounds = array<i64: 10>, scalar_prefetch = 0 : i64, scratch_operands = 0 : i64, tpu.core_type = #tpu.core_type<tc>, window_params = [{transform_indices = @transform_0, window_bounds = array<i64: 1000, 128>}, {pipeline_mode = #tpu.pipeline_mode<synchronous>, transform_indices = @transform_1, window_bounds = array<i64: 128, 128>}, {pipeline_mode = #tpu.pipeline_mode<synchronous>, transform_indices = @transform_2, window_bounds = array<i64: 1, 128>}, {transform_indices = @transform_3, window_bounds = array<i64: 1000, 128>}]} {
    %get3A = arith.constant 0 : index
    %get3A_0 = arith.constant 0 : index
    %get3A_1 = vector.load %arg1[%get3A, %get3A_0] : memref<1000x128xf32, #tpu.memory_space<vmem>>, vector<1000x128xf32>
    %get3A_2 = arith.constant 0 : index
    %get3A_3 = arith.constant 0 : index
    %get3A_4 = vector.load %arg2[%get3A_2, %get3A_3] : memref<128x128xf32, #tpu.memory_space<vmem>>, vector<128x128xf32>
    %dot_general3A = arith.constant dense<0.000000e+00> : vector<1000x128xf32>
    %dot_general3A_5 = tpu.matmul %get3A_1, %get3A_4, %dot_general3A {dimension_numbers = #tpu.dot_dimension_numbers<[1], [0], [0], [1], [0, 0, 1, 1], [], []>, transpose_lhs_hint = false} : vector<1000x128xf32>, vector<128x128xf32>, vector<1000x128xf32> -> vector<1000x128xf32>
    %get3A_6 = arith.constant 0 : index
    %get3A_7 = arith.constant 0 : index
    %get3A_8 = vector.load %arg3[%get3A_6, %get3A_7] : memref<1x128xf32, #tpu.memory_space<vmem>>, vector<1x128xf32>
    %add3A = vector.broadcast %get3A_8 : vector<1x128xf32> to vector<1000x128xf32>
    %add3A_9 = arith.addf %dot_general3A_5, %add3A : vector<1000x128xf32>
    %max3A = arith.constant 0.000000e+00 : f32
    %max3A_10 = vector.broadcast %max3A : f32 to vector<1000x128xf32>
    %max3A_11 = arith.maximumf %add3A_9, %max3A_10 : vector<1000x128xf32>
    %swap3A = arith.constant 0 : index
    %swap3A_12 = arith.constant 0 : index
    %swap3A_13 = vector.load %arg4[%swap3A, %swap3A_12] : memref<1000x128xf32, #tpu.memory_space<vmem>>, vector<1000x128xf32>
    tpu.vector_store %arg4[%swap3A, %swap3A_12], %max3A_11 {strides = array<i32>} : memref<1000x128xf32, #tpu.memory_space<vmem>>, vector<1000x128xf32>,
    return
  }
  func.func @transform_0(%arg0: i32) -> (i32, i32) {
    %c0_i32 = arith.constant 0 : i32
    %c0_i32_0 = arith.constant 0 : i32
    return %arg0, %c0_i32 : i32, i32
  }
  func.func @transform_1(%arg0: i32) -> (i32, i32) {
    %c0_i32 = arith.constant 0 : i32
    %c0_i32_0 = arith.constant 0 : i32
    %c0_i32_1 = arith.constant 0 : i32
    return %c0_i32, %c0_i32_0 : i32, i32
  }
  func.func @transform_2(%arg0: i32) -> (i32, i32) {
    %c0_i32 = arith.constant 0 : i32
    %c0_i32_0 = arith.constant 0 : i32
    %c0_i32_1 = arith.constant 0 : i32
    return %c0_i32, %c0_i32_0 : i32, i32
  }
  func.func @transform_3(%arg0: i32) -> (i32, i32) {
    %c0_i32 = arith.constant 0 : i32
    %c0_i32_0 = arith.constant 0 : i32
    return %arg0, %c0_i32 : i32, i32
  }
}

module attributes {stable_mosaic.version = 14 : i64} {
  func.func @_final_body(%arg0: i32, %arg1: memref<1000x128xf32, #tpu.memory_space<vmem>>, %arg2: memref<1000x128xf32, #tpu.memory_space<vmem>>, %arg3: memref<1000x128xf32, #tpu.memory_space<vmem>>, %arg4: memref<128x128xf32, #tpu.memory_space<vmem>>, %arg5: memref<128x128xf32, #tpu.memory_space<vmem>>, %arg6: memref<1x128xf32, #tpu.memory_space<vmem>>, %arg7: memref<1000x128xf32, #tpu.memory_space<vmem>>) attributes {dimension_semantics = [#tpu.dimension_semantics<arbitrary>], iteration_bounds = array<i64: 10>, scalar_prefetch = 0 : i64, scratch_operands = 0 : i64, tpu.core_type = #tpu.core_type<tc>, window_params = [{transform_indices = @transform_0, window_bounds = array<i64: 1000, 128>}, {transform_indices = @transform_1, window_bounds = array<i64: 1000, 128>}, {transform_indices = @transform_2, window_bounds = array<i64: 1000, 128>}, {pipeline_mode = #tpu.pipeline_mode<synchronous>, transform_indices = @transform_3, window_bounds = array<i64: 128, 128>}, {pipeline_mode = #tpu.pipeline_mode<synchronous>, transform_indices = @transform_4, window_bounds = array<i64: 128, 128>}, {pipeline_mode = #tpu.pipeline_mode<synchronous>, transform_indices = @transform_5, window_bounds = array<i64: 1, 128>}, {transform_indices = @transform_6, window_bounds = array<i64: 1000, 128>}]} {
    %get3A = arith.constant 0 : index
    %get3A_0 = arith.constant 0 : index
    %get3A_1 = vector.load %arg2[%get3A, %get3A_0] : memref<1000x128xf32, #tpu.memory_space<vmem>>, vector<1000x128xf32>
    %get3A_2 = arith.constant 0 : index
    %get3A_3 = arith.constant 0 : index
    %get3A_4 = vector.load %arg3[%get3A_2, %get3A_3] : memref<1000x128xf32, #tpu.memory_space<vmem>>, vector<1000x128xf32>
    %max3A = arith.maximumf %get3A_1, %get3A_4 : vector<1000x128xf32>
    %get3A_5 = arith.constant 0 : index
    %get3A_6 = arith.constant 0 : index
    %get3A_7 = vector.load %arg1[%get3A_5, %get3A_6] : memref<1000x128xf32, #tpu.memory_space<vmem>>, vector<1000x128xf32>
    %get3A_8 = arith.constant 0 : index
    %get3A_9 = arith.constant 0 : index
    %get3A_10 = vector.load %arg4[%get3A_8, %get3A_9] : memref<128x128xf32, #tpu.memory_space<vmem>>, vector<128x128xf32>
    %dot_general3A = arith.constant dense<0.000000e+00> : vector<1000x128xf32>
    %dot_general3A_11 = tpu.matmul %get3A_7, %get3A_10, %dot_general3A {dimension_numbers = #tpu.dot_dimension_numbers<[1], [0], [0], [1], [0, 0, 1, 1], [], []>, transpose_lhs_hint = false} : vector<1000x128xf32>, vector<128x128xf32>, vector<1000x128xf32> -> vector<1000x128xf32>
    %get3A_12 = arith.constant 0 : index
    %get3A_13 = arith.constant 0 : index
    %get3A_14 = vector.load %arg5[%get3A_12, %get3A_13] : memref<128x128xf32, #tpu.memory_space<vmem>>, vector<128x128xf32>
    %dot_general3A_15 = arith.constant dense<0.000000e+00> : vector<1000x128xf32>
    %dot_general3A_16 = tpu.matmul %max3A, %get3A_14, %dot_general3A_15 {dimension_numbers = #tpu.dot_dimension_numbers<[1], [0], [0], [1], [0, 0, 1, 1], [], []>, transpose_lhs_hint = false} : vector<1000x128xf32>, vector<128x128xf32>, vector<1000x128xf32> -> vector<1000x128xf32>
    %add3A = arith.addf %dot_general3A_11, %dot_general3A_16 : vector<1000x128xf32>
    %get3A_17 = arith.constant 0 : index
    %get3A_18 = arith.constant 0 : index
    %get3A_19 = vector.load %arg6[%get3A_17, %get3A_18] : memref<1x128xf32, #tpu.memory_space<vmem>>, vector<1x128xf32>
    %add3A_20 = vector.broadcast %get3A_19 : vector<1x128xf32> to vector<1000x128xf32>
    %add3A_21 = arith.addf %add3A, %add3A_20 : vector<1000x128xf32>
    %swap3A = arith.constant 0 : index
    %swap3A_22 = arith.constant 0 : index
    %swap3A_23 = vector.load %arg7[%swap3A, %swap3A_22] : memref<1000x128xf32, #tpu.memory_space<vmem>>, vector<1000x128xf32>
    tpu.vector_store %arg7[%swap3A, %swap3A_22], %add3A_21 {strides = array<i32>} : memref<1000x128xf32, #tpu.memory_space<vmem>>, vector<1000x128xf32>,
    return
  }
  func.func @transform_0(%arg0: i32) -> (i32, i32) {
    %c0_i32 = arith.constant 0 : i32
    %c0_i32_0 = arith.constant 0 : i32
    return %arg0, %c0_i32 : i32, i32
  }
  func.func @transform_1(%arg0: i32) -> (i32, i32) {
    %c0_i32 = arith.constant 0 : i32
    %c0_i32_0 = arith.constant 0 : i32
    return %arg0, %c0_i32 : i32, i32
  }
  func.func @transform_2(%arg0: i32) -> (i32, i32) {
    %c0_i32 = arith.constant 0 : i32
    %c0_i32_0 = arith.constant 0 : i32
    return %arg0, %c0_i32 : i32, i32
  }
  func.func @transform_3(%arg0: i32) -> (i32, i32) {
    %c0_i32 = arith.constant 0 : i32
    %c0_i32_0 = arith.constant 0 : i32
    %c0_i32_1 = arith.constant 0 : i32
    return %c0_i32, %c0_i32_0 : i32, i32
  }
  func.func @transform_4(%arg0: i32) -> (i32, i32) {
    %c0_i32 = arith.constant 0 : i32
    %c0_i32_0 = arith.constant 0 : i32
    %c0_i32_1 = arith.constant 0 : i32
    return %c0_i32, %c0_i32_0 : i32, i32
  }
  func.func @transform_5(%arg0: i32) -> (i32, i32) {
    %c0_i32 = arith.constant 0 : i32
    %c0_i32_0 = arith.constant 0 : i32
    %c0_i32_1 = arith.constant 0 : i32
    return %c0_i32, %c0_i32_0 : i32, i32
  }
  func.func @transform_6(%arg0: i32) -> (i32, i32) {
    %c0_i32 = arith.constant 0 : i32
    %c0_i32_0 = arith.constant 0 : i32
    return %arg0, %c0_i32 : i32, i32
  }
}

</mosaic_0001>

<sc_bundles>
// kernel: kernel.5.cloned.1.call-start
scs
__scs_entry_jumppad:
0x0: {  	(pc) =	sbr.rel $0x88, $3  }
0x1: {  	(tag) =	ssettag $0x0;
	lr =	simm.s32 $0x1  }
0x2: {  	[smem:$0x3F98] =	sst lr;
	_ =	strace $0xD0000000  }
0x3: {  	_ = 	snop  }
0x4: {  	_ = 	snop  }
0x5: {  	_ = 	snop  }
0x6: {  	_ = 	snop  }
0x7: {  	_ = 	snop  }
__scs_overlays_trampoline_lowered:
0x8: {  	[smem:$0x3FA7] =	sst s0  }
0x9: {  	[smem:$0x3FA8] =	sst s1  }
0xa: {  	[smem:$0x3FA9] =	sst s2  }
0xb: {  	[smem:$0x3FAA] =	sst s3  }
0xc: {  	[smem:$0x3FAB] =	sst s4  }
0xd: {  	[smem:$0x3FAC] =	sst s5  }
0xe: {  	[smem:$0x3FAD] =	sst s6  }
0xf: {  	[smem:$0x3FAE] =	sst s7  }
0x10: {  	[smem:$0x3FAF] =	sst s8  }
0x11: {  	[smem:$0x3FB0] =	sst s9;
	s0 =	simm.s32 @!p0 $0x0  }
0x12: {  	s1 =	sld [smem:$0x3F96];
	s0 =	simm.s32 @p0 $0x1  }
0x13: {  	[smem:$0x3FB1] =	sst s0;
	s0 =	simm.s32 @!p1 $0x0  }
0x14: {  	s2 =	sld [smem:$0x3F95];
	s0 =	simm.s32 @p1 $0x1  }
0x15: {  	[smem:$0x3FB2] =	sst s0;
	s0 =	simm.s32 @!p2 $0x0  }
0x16: {  	s3 =	sld [smem:$0x3FDB];
	s0 =	simm.s32 @p2 $0x1  }
0x17: {  	s4 =	simm.s32 $0x1BF5;
	[smem:$0x3FB4] =	sst s0  }
0x18: {  	s0 =	sld [smem:$0x3F97];
	_ =	swait.ge [sflag:s4], $0x0  }
0x19: {  	s7 =	sld [smem:$0x3F98]  }
0x1a: {  	s8 =	sadd.s32 $0xFFFFE003, lr  }
0x1b: {  	s9 =	sadd.s32 $0xFFFFFEF7, lr;
	s5 =	simm.s32 $0xFFFFFFFF;
	p2 =	slt.u32 s8, $0xFFFFF086  }
0x1c: {  	p1 =	slt.u32 s9, $0xF7A;
	s5 =	simm.s32 @!p2 $0x0  }
0x1d: {  	s5 =	simm.s32 @p1 $0x1;
	p0 =	seq.s32 s7, s2  }
0x1e: {  	s7 =	smul.u32 @!p0 $0xF7A, s2;
	p2 =	seq.s32 @!p0 s5, $0x0  }
0x1f: {  	s9 =	smul.u32 $0xF7A, s1;
	s8 =	simm.s32 @!p0 $0x1BF5;
	p2 =	por !p2, p0  }
0x20: {  	[sflag:s8] =	ssyncset.s32 @!p0 $0xFFFFF086;
	s6 =	sadd.s32 @!p0 s3, s7;
	s7 =	simm.s32 @!p0 $0x108  }
0x21: {  	s3 =	sadd.s32 s3, s9;
	s6 =	sadd.s32 @!p0 $0x88, s6;
	s7 =	simm.s32 @p2 $0x1082  }
0x22: {  	[simem:s7], [sflag:s8] =	dma.local @!p0 [hbm:s6], $0xF7A  }
0x23: {  	s9 =	sor.u32 $0xD0000000, s2;
	s6 =	simm.s32 $0x108;
	_ =	swait.ge @!p0 [sflag:s8], $0x0  }
0x24: {  	s3 =	sadd.s32 $0x88, s3;
	s6 =	simm.s32 @!p1 $0x1082;
	[sflag:s4] =	ssyncset.s32 $0xFFFFF086  }
0x25: {  	[simem:s6], [sflag:s4] =	dma.local [hbm:s3], $0xF7A  }
0x26: {  	[smem:$0x3F98] =	sst s1;
	(tag) =	ssettag s2;
	_ =	strace s9  }
0x27: {  	s1 =	sld [smem:$0x3FA8]  }
0x28: {  	s2 =	sld [smem:$0x3FA9]  }
0x29: {  	s4 =	sld [smem:$0x3FAB]  }
0x2a: {  	p0 =	seq.s32 s5, $0x0;
	s5 =	sld [smem:$0x3FAC]  }
0x2b: {  	s6 =	sld [smem:$0x3FAD]  }
0x2c: {  	s7 =	sld [smem:$0x3FAE]  }
0x2d: {  	s3 =	simm.s32 $0x108;
	s8 =	sld [smem:$0x3FAF]  }
0x2e: {  	s3 =	simm.s32 @!p0 $0x1082;
	s9 =	sld [smem:$0x3FB0]  }
0x2f: {  	lr =	sadd.s32 s0, s3;
	s0 =	sld [smem:$0x3FA7]  }
0x30: {  	s3 =	sld [smem:$0x3FAA]  }
0x31: {  	[smem:$0x3FB3] =	sst s10  }
0x32: {  	s10 =	sld [smem:$0x3FB1];
	_ =	sdelay $0x3  }
0x33: {  	p0 =	seq.s32 s10, $0x1;
	s10 =	sld [smem:$0x3FB3];
	_ =	sdelay $0x3  }
0x34: {  	[smem:$0x3FB3] =	sst s10  }
0x35: {  	s10 =	sld [smem:$0x3FB2];
	_ =	sdelay $0x3  }
0x36: {  	p1 =	seq.s32 s10, $0x1;
	s10 =	sld [smem:$0x3FB3];
	_ =	sdelay $0x3  }
0x37: {  	[smem:$0x3FB3] =	sst s10  }
0x38: {  	s10 =	sld [smem:$0x3FB4]  }
0x39: {  	_ = 	snop;
	(pc) =	sbr.ind lr, $3  }
0x3a: {  	_ = 	snop  }
0x3b: {  	_ = 	snop  }
0x3c: {  	p2 =	seq.s32 s10, $0x1;
	s10 =	sld [smem:$0x3FB3]  }
0x3d: {  	_ =	shalt  }
0x3e: {  	_ =	shalt  }
0x3f: {  	_ =	shalt  }
0x40: {  	_ =	shalt  }
0x41: {  	_ =	shalt  }
0x42: {  	_ =	shalt  }
0x43: {  	_ =	shalt  }
0x44: {  	_ =	shalt  }
0x45: {  	_ =	shalt  }
0x46: {  	_ =	shalt  }
0x47: {  	_ =	shalt  }
0x48: {  	_ =	shalt  }
0x49: {  	_ =	shalt  }
0x4a: {  	_ =	shalt  }
0x4b: {  	_ =	shalt  }
0x4c: {  	_ =	shalt  }
0x4d: {  	_ =	shalt  }
0x4e: {  	_ =	shalt  }
0x4f: {  	_ =	shalt  }
0x50: {  	_ =	shalt  }
0x51: {  	_ =	shalt  }
0x52: {  	_ =	shalt  }
0x53: {  	_ =	shalt  }
0x54: {  	_ =	shalt  }
0x55: {  	_ =	shalt  }
0x56: {  	_ =	shalt  }
0x57: {  	_ =	shalt  }
0x58: {  	_ =	shalt  }
0x59: {  	_ =	shalt  }
0x5a: {  	_ =	shalt  }
0x5b: {  	_ =	shalt  }
0x5c: {  	_ =	shalt  }
0x5d: {  	_ =	shalt  }
0x5e: {  	_ =	shalt  }
0x5f: {  	_ =	shalt  }
0x60: {  	_ =	shalt  }
0x61: {  	_ =	shalt  }
0x62: {  	_ =	shalt  }
0x63: {  	_ =	shalt  }
0x64: {  	_ =	shalt  }
0x65: {  	_ =	shalt  }
0x66: {  	_ =	shalt  }
0x67: {  	_ =	shalt  }
0x68: {  	_ =	shalt  }
0x69: {  	_ =	shalt  }
0x6a: {  	_ =	shalt  }
0x6b: {  	_ =	shalt  }
0x6c: {  	_ =	shalt  }
0x6d: {  	_ =	shalt  }
0x6e: {  	_ =	shalt  }
0x6f: {  	_ =	shalt  }
0x70: {  	_ =	shalt  }
0x71: {  	_ =	shalt  }
0x72: {  	_ =	shalt  }
0x73: {  	_ =	shalt  }
0x74: {  	_ =	shalt  }
0x75: {  	_ =	shalt  }
0x76: {  	_ =	shalt  }
0x77: {  	_ =	shalt  }
0x78: {  	_ =	shalt  }
0x79: {  	_ =	shalt  }
0x7a: {  	_ =	shalt  }
0x7b: {  	_ =	shalt  }
0x7c: {  	_ =	shalt  }
0x7d: {  	_ =	shalt  }
0x7e: {  	_ =	shalt  }
0x7f: {  	_ =	shalt  }
0x80: {  	_ =	shalt  }
0x81: {  	_ =	shalt  }
0x82: {  	_ =	shalt  }
0x83: {  	_ =	shalt  }
0x84: {  	_ =	shalt  }
0x85: {  	_ =	shalt  }
0x86: {  	_ =	shalt  }
0x87: {  	_ =	shalt  }
.Lfunc_end0:
.L_simem_size_0:
called_computation_lowered:
.L_overlay_start_0:
0x88: {  	s2 =	sld [smem:$0x3FD9]  }
0x89: {  	s3 =	sld [smem:$0x3FFE];
	_ =	sdelay $0x1  }
0x8a: {  	s1 =	srdreg.scid  }
0x8b: {  	s0 =	sand.u32 $0x1, s1  }
0x8c: {  	s17 =	sshll.u32 s0, $0xA;
	s2 =	sadd.s32 s3, s2  }
0x8d: {  	s2 =	sadd.s32 s2, s17  }
0x8e: {  	[smem:$0x3FBF] =	sst s2  }
0x8f: {  	_ = 	snop  }
0x90: {  	s2 =	sld [smem:$0x3FD0];
	(tm) =	ssettm $0x1  }
0x91: {  	s18 =	sld [smem:$0x3FFB];
	_ =	sdelay $0x3  }
0x92: {  	_ =	strace s18  }
0x93: {  	s3 =	sld [smem:$0x3FFC];
	_ =	sdelay $0x3  }
0x94: {  	_ =	strace s3  }
0x95: {  	s3 =	sld [smem:$0x3FFD];
	_ =	sdelay $0x3  }
0x96: {  	_ =	strace s3  }
0x97: {  	_ =	strace $0x8FFFFFFF  }
0x98: {  	s19 =	sld [smem:$0x3FDB];
	_ =	sdelay $0x1  }
0x99: {  	s4 =	simm.s32 $_scs_section_size  }
0x9a: {  	s5 =	simm.s32 $_size__tile_overlayer_lowered;
	s6 =	simm.s32 $_tile_overlayer_lowered  }
0x9b: {  	s22 =	simm.s32 $0x1BFF;
	s21 =	sshll.u32 s6, $0x1;
	s3 =	sadd.s32 s4, s19  }
0x9c: {  	s7 =	simm.s32 $0x0;
	s20 =	sshll.u32 s5, $0x1;
	s5 =	sadd.s32 s21, s3  }
0x9d: {  	[timem:s7], [sflag:s22] =	dma.local [hbm:s5], s20  }
0x9e: {  	_ =	swait.ge [sflag:s22], s20  }
0x9f: {  	s4 =	ssub.s32 $0x0, s20;
	[sflag:s22] =	ssyncset.done $0x0  }
0xa0: {  	[sflag:s22] =	ssyncadd.s32 s4;
	_ =	sdelay $0x1  }
0xa1: {  	s23 =	simm.s32 $0x1B8B  }
0xa2: {  	_ =	swait.ge [sflag:s23], $0x1  }
0xa3: {  	[sflag:s23] =	ssyncset.done $0x0  }
0xa4: {  	s25 =	simm.s32 $0x1B8E;
	s24 =	sld [smem:$0x3FFE];
	[sflag:s23] =	ssyncadd.s32 $0xFFFFFFFF  }
0xa5: {  	s26 =	simm.s32 $execute0_lowered;
	[smem:$0x3FD2] =	sst s25  }
0xa6: {  	s5 =	sshll.u32 s26, $0x1;
	_ =	strace $0x80000046;
	[dreg:$0x1] =	wrdreg $0xFFFFFFFF  }
0xa7: {  	s28 =	simm.s32 $_size_execute0_lowered;
	s3 =	sadd.s32 s3, s5;
	[dreg:$0x0] =	wrdreg $0x0  }
0xa8: {  	s5 =	sshll.u32 s28, $0x1;
	[dreg:$0x2] =	wrdreg s3  }
0xa9: {  	[dreg:$0x3] =	wrdreg s5  }
0xaa: {  	[dreg:$0x4] =	wrdreg $0xC0  }
0xab: {  	_ =	task [dreg:s7], $0x5FFFF  }
0xac: {  	[dreg:$0x1] =	wrdreg $0xFFFFFFFF  }
0xad: {  	[dreg:$0x0] =	wrdreg $0x60  }
0xae: {  	[dreg:$0x2] =	wrdreg s2  }
0xaf: {  	[dreg:$0x3] =	wrdreg s24  }
0xb0: {  	[dreg:$0x4] =	wrdreg $0x9  }
0xb1: {  	_ =	task.clear_ibuf [dreg:s7], $0x5FFFF;
	_ =	strace $0x90000046  }
0xb2: {  	s29 =	simm.s32 $0x9;
	_ =	strace $0x80000048  }
0xb3: {  	_ =	swait.ge [sflag:s29], $0x1  }
0xb4: {  	[sflag:s29] =	ssyncadd.s32 $0xFFFFFFFF  }
0xb5: {  	_ =	strace $0x90000048  }
0xb6: {  	_ =	sfence  }
0xb7: {  	s30 =	sld [smem:$0x0];
	_ =	sdelay $0x2  }
0xb8: {  	s31 =	sshll.u32 s1, $0xD;
	s1 =	sshrl.u32 s1, $0x2  }
0xb9: {  	s3 =	sand.u32 $0x4000, s31;
	s1 =	sadd.s32 s1, s30  }
0xba: {  	s0 =	sor.u32 s3, s0;
	s1 =	sshll.u32 s1, $0x11  }
0xbb: {  	s0 =	sor.u32 s1, s0  }
0xbc: {  	s0 =	sadd.s32 $0x8F2B, s0  }
0xbd: {  	[sflag:s0] =	ssyncadd.remote.s32 $0x1  }
0xbe: {  	_ =	sfence.sel $0xFFFF  }
0xbf: {  	[dreg:$0x0] =	wrdreg $0xFFFFFFFF;
	(pc) =	sbr.abs _section_cstart, $3  }
0xc0: {  	[dreg:$0x1] =	wrdreg $0xFFFFFFFF  }
0xc1: {  	_ =	task.clear_ibuf [dreg:s7], $0x2FFFF;
	_ =	strace $0x9FFFFFFF  }
0xc2: {  	(tm) =	ssettm $0x7FFFFFFF  }
0xc3: {  	_ =	shalt  }
tec
execute0_lowered:
.L_overlay_start_1:
0x0: {  	(tag) =	ssettag $0x1  }
0x1: {  	s7 =	rddreg [dreg:$0x0];
	s2 =	srdreg.scid  }
0x2: {  	s6 =	rddreg [dreg:$0x1];
	s1 =	stileid.u32;
	s8 =	sand.u32 $0x1, s2  }
0x3: {  	s0 =	rddreg [dreg:$0x2];
	s5 =	sand.u32 $0x7, s1;
	s9 =	smul.u32 $0x138800, s8  }
0x4: {  	s13 =	simm.s32 $0x12C0;
	s10 =	sshrl.u32 s1, $0x3;
	s11 =	smul.u32 $0x27100, s5  }
0x5: {  	s16 =	simm.s32 $0x0;
	s2 =	simm.s32 $0x0;
	s12 =	smul.u32 $0x13880, s10  }
0x6: {  	s3 =	sadd.s32 $0xA400, s6;
	s4 =	sadd.s32 $0x600, s6;
	s14 =	smul.u32 $0x1388, s10  }
0x7: {  	[smem:$0x7FF] =	sst s2;
	s29 =	ssub.s32 $0x2, s8;
	s31 =	smul.u32 $0x4E20, s5  }
0x8: {  	s5 =	sadd.s32 $0x14200, s6;
	_ =	strace $0x80000047;
	s30 =	sshrl.u32 s29, $0x1  }
0x9: {  	s9 =	sadd.s32 s9, s11;
	s10 =	ssub.s32 s29, s30;
	s7 =	sadd.s32 s7, s31  }
0xa: {  	s15 =	sadd.s32 $0x1388, s14;
	s11 =	simm.s32 $0x640;
	s9 =	sadd.s32 s12, s9  }
0xb: {  	v0 =	vmov s14;
	s14 =	simm.s32 $0x1;
	s12 =	simm.s32 $0xC80;
	s9 =	sshrl.u32 s9, $0x3  }
0xc: {  	v1 =	vmov s15;
	s15 =	simm.s32 $0x76C0;
	s9 =	sadd.s32 s9, s6;
	s6 =	smul.u32 $0x27100, s8  }
0xd: {  	v2 =	vimm.f32 $0.0e+00;
	s8 =	sadd.s32 $0x1E000, s9;
	s9 =	smax.u32 s10, $0x1;
	s10 =	simm.s32 $0x2  }
.LBB2_1:
0xe: {  	s17 =	simm.s32 $0x40;
	s18 =	simm.s32 $0x0  }
.LBB2_2:
0xf: {  	p0 =	sne.s32 s17, $0x4E1C0;
	[tilespmem:s18+$0x76C0] =	vst v2;
	s18 =	smov.u32 s17;
	s17 =	sadd.s32 $0x40, s17  }
.Ltmp0:
0x10: {  	(pc) =	sbr.rel @p0 .LBB2_2-.Ltmp0, $2  }
0x11: {  	_ =	sdelay $0x2  }
0x12: {  	s18 =	sshra.s32 s18, $0x2  }
0x13: {  	[tilespmem:s18+$0x76C0] =	vst v2;
	s17 =	simm.s32 $0x0;
	s18 =	simm.s32 $0x0  }
.LBB2_4:
0x14: {  	s19 =	smul.u32 $0x640, s18;
	_ =	sdelay $0x1  }
0x15: {  	s19 =	sadd.s32 s6, s19  }
0x16: {  	s19 =	sshrl.u32 s19, $0x3  }
0x17: {  	s20 =	sadd.s32 s3, s19  }
0x18: {  	[tilespmem:s17], [sflag:$0x2] =	stream.linear.gather [hbm4b:s20+s17], $0x640, $0x38;
	[tilespmem:$0x1AF40] =	vst v63  }
0x19: {  	_ =	swait.ge [sflag:s10], $0x640  }
0x1a: {  	[sflag:s10] =	ssyncset.done $0x0  }
0x1b: {  	s24 =	sadd.s32 s4, s19;
	[sflag:s10] =	ssyncadd.s32 $0xFFFFF9C0  }
0x1c: {  	[tilespmem:s11], [sflag:$0x2] =	stream.linear.gather [hbm4b:s24+s17], $0x640, $0x38;
	[tilespmem:$0x1AF40] =	vst v63  }
0x1d: {  	_ =	swait.ge [sflag:s10], $0x640  }
0x1e: {  	[sflag:s10] =	ssyncset.done $0x0  }
0x1f: {  	s19 =	sadd.s32 s5, s19;
	[sflag:s10] =	ssyncadd.s32 $0xFFFFF9C0  }
0x20: {  	[tilespmem:s12], [sflag:$0x2] =	stream.linear.gather [hbm4b:s19+s17], $0x640, $0x38;
	[tilespmem:$0x1AF40] =	vst v63  }
0x21: {  	_ =	swait.ge [sflag:s10], $0x640  }
0x22: {  	[sflag:s10] =	ssyncset.done $0x0  }
0x23: {  	[sflag:s10] =	ssyncadd.s32 $0xFFFFF9C0  }
0x24: {  	[tilespmem:s13], [sflag:$0x1] =	stream.indirect.gather [hbm4b:s7+s11], $0x10, s17, s11, $0xb8;
	[tilespmem:$0x1AF40] =	vst v63  }
0x25: {  	_ =	swait.ge [sflag:s14], $0x6400  }
0x26: {  	[sflag:s14] =	ssyncset.done $0x0  }
0x27: {  	s25 =	simm.s32 $0x0;
	[sflag:s14] =	ssyncadd.s32 $0xFFFF9C00  }
0x28: {  	v3 =	vld [tilespmem:s25+$0x640];
	_ =	sdelay $0x4  }
0x29: {  	vm0 =	vge.s32 v3, v0;
	vm1 =	vlt.s32 v3, v1  }
0x2a: {  	v3 =	vsub.s32 v3, v0;
	vm0 =	vmand vm0, vm1  }
0x2b: {  	v3 =	vnsel vm0, $0x0, v3  }
0x2c: {  	v3 =	vshll.u32 v3, $0x6  }
0x2d: {  	v3 =	vshra.s32 v3, $0x2  }
0x2e: {  	v3 =	vadd.s32 $0x76C0, v3  }
0x2f: {  	(v2sf) =	vpush v3, $0x0;
	_ =	sdelay $0x8  }
0x30: {  	(v2sf) =	vpush v3, $0x1;
	_ =	sdelay $0x1  }
0x31: {  	v4 =	vld [tilespmem:s25+$0xC80];
	_ =	sdelay $0x1  }
0x32: {  	s19 =	simm.s32 $0x1340  }
0x33: {  	v5 =	vld [tilespmem:s19+$0xFFFFFF80]  }
0x34: {  	s26 =	spop (v2sf)  }
0x35: {  	v4 =	vnsel vm0, $0x0, v4;
	v6 =	vld [tilespmem:s26+$0x0]  }
0x36: {  	v7 =	vbroadcast v4, $0x0  }
0x37: {  	(v2sf) =	vpush v3, $0x2  }
0x38: {  	v5 =	vmul.f32 v7, v5;
	_ =	sdelay $0x1  }
0x39: {  	v5 =	vmax.f32 v6, v5  }
0x3a: {  	[tilespmem:s26+$0x0] =	vst v5  }
0x3b: {  	v5 =	vld [tilespmem:s19+$0xFFFFFF90]  }
0x3c: {  	s28 =	spop (v2sf)  }
0x3d: {  	v37 =	vld [tilespmem:s28+$0x0]  }
0x3e: {  	v38 =	vbroadcast v4, $0x1  }
0x3f: {  	(v2sf) =	vpush v3, $0x3  }
0x40: {  	v5 =	vmul.f32 v5, v38;
	_ =	sdelay $0x1  }
0x41: {  	v5 =	vmax.f32 v37, v5  }
0x42: {  	[tilespmem:s28+$0x0] =	vst v5  }
0x43: {  	v5 =	vld [tilespmem:s19+$0xFFFFFFA0]  }
0x44: {  	s29 =	spop (v2sf)  }
0x45: {  	v39 =	vld [tilespmem:s29+$0x0]  }
0x46: {  	v40 =	vbroadcast v4, $0x2  }
0x47: {  	(v2sf) =	vpush v3, $0x4  }
0x48: {  	v5 =	vmul.f32 v5, v40;
	_ =	sdelay $0x1  }
0x49: {  	v5 =	vmax.f32 v39, v5  }
0x4a: {  	[tilespmem:s29+$0x0] =	vst v5  }
0x4b: {  	v5 =	vld [tilespmem:s19+$0xFFFFFFB0]  }
0x4c: {  	s30 =	spop (v2sf)  }
0x4d: {  	v41 =	vld [tilespmem:s30+$0x0]  }
0x4e: {  	v42 =	vbroadcast v4, $0x3  }
0x4f: {  	(v2sf) =	vpush v3, $0x5  }
0x50: {  	v5 =	vmul.f32 v5, v42;
	_ =	sdelay $0x1  }
0x51: {  	v5 =	vmax.f32 v41, v5  }
0x52: {  	[tilespmem:s30+$0x0] =	vst v5  }
0x53: {  	v5 =	vld [tilespmem:s19+$0xFFFFFFC0]  }
0x54: {  	s31 =	spop (v2sf)  }
0x55: {  	v43 =	vld [tilespmem:s31+$0x0]  }
0x56: {  	v44 =	vbroadcast v4, $0x4  }
0x57: {  	(v2sf) =	vpush v3, $0x6  }
0x58: {  	v5 =	vmul.f32 v5, v44;
	_ =	sdelay $0x1  }
0x59: {  	v5 =	vmax.f32 v43, v5  }
0x5a: {  	[tilespmem:s31+$0x0] =	vst v5  }
0x5b: {  	v5 =	vld [tilespmem:s19+$0xFFFFFFD0]  }
0x5c: {  	s21 =	spop (v2sf)  }
0x5d: {  	v45 =	vld [tilespmem:s21+$0x0]  }
0x5e: {  	v46 =	vbroadcast v4, $0x5  }
0x5f: {  	(v2sf) =	vpush v3, $0x7  }
0x60: {  	v5 =	vmul.f32 v5, v46;
	_ =	sdelay $0x1  }
0x61: {  	v5 =	vmax.f32 v45, v5  }
0x62: {  	[tilespmem:s21+$0x0] =	vst v5  }
0x63: {  	v5 =	vld [tilespmem:s19+$0xFFFFFFE0]  }
0x64: {  	s22 =	spop (v2sf)  }
0x65: {  	v47 =	vld [tilespmem:s22+$0x0]  }
0x66: {  	v48 =	vbroadcast v4, $0x6  }
0x67: {  	(v2sf) =	vpush v3, $0x8  }
0x68: {  	v5 =	vmul.f32 v5, v48;
	_ =	sdelay $0x1  }
0x69: {  	v5 =	vmax.f32 v47, v5  }
0x6a: {  	[tilespmem:s22+$0x0] =	vst v5  }
0x6b: {  	v5 =	vld [tilespmem:s19+$0xFFFFFFF0]  }
0x6c: {  	s23 =	spop (v2sf)  }
0x6d: {  	v49 =	vld [tilespmem:s23+$0x0]  }
0x6e: {  	v50 =	vbroadcast v4, $0x7  }
0x6f: {  	(v2sf) =	vpush v3, $0x9  }
0x70: {  	v5 =	vmul.f32 v5, v50;
	_ =	sdelay $0x1  }
0x71: {  	v5 =	vmax.f32 v49, v5  }
0x72: {  	[tilespmem:s23+$0x0] =	vst v5  }
0x73: {  	v5 =	vld [tilespmem:s19+$0x0]  }
0x74: {  	s24 =	spop (v2sf)  }
0x75: {  	v51 =	vld [tilespmem:s24+$0x0]  }
0x76: {  	v52 =	vbroadcast v4, $0x8  }
0x77: {  	(v2sf) =	vpush v3, $0xA  }
0x78: {  	v5 =	vmul.f32 v5, v52;
	_ =	sdelay $0x1  }
0x79: {  	v5 =	vmax.f32 v51, v5  }
0x7a: {  	[tilespmem:s24+$0x0] =	vst v5  }
0x7b: {  	v5 =	vld [tilespmem:s19+$0x10]  }
0x7c: {  	s25 =	spop (v2sf)  }
0x7d: {  	v53 =	vld [tilespmem:s25+$0x0]  }
0x7e: {  	v54 =	vbroadcast v4, $0x9  }
0x7f: {  	(v2sf) =	vpush v3, $0xB  }
0x80: {  	v5 =	vmul.f32 v5, v54;
	_ =	sdelay $0x1  }
0x81: {  	v5 =	vmax.f32 v53, v5  }
0x82: {  	[tilespmem:s25+$0x0] =	vst v5  }
0x83: {  	v5 =	vld [tilespmem:s19+$0x20]  }
0x84: {  	s26 =	spop (v2sf)  }
0x85: {  	v55 =	vld [tilespmem:s26+$0x0]  }
0x86: {  	v56 =	vbroadcast v4, $0xA  }
0x87: {  	(v2sf) =	vpush v3, $0xC  }
0x88: {  	v5 =	vmul.f32 v5, v56;
	_ =	sdelay $0x1  }
0x89: {  	v5 =	vmax.f32 v55, v5  }
0x8a: {  	[tilespmem:s26+$0x0] =	vst v5  }
0x8b: {  	v5 =	vld [tilespmem:s19+$0x30]  }
0x8c: {  	s28 =	spop (v2sf)  }
0x8d: {  	v57 =	vld [tilespmem:s28+$0x0]  }
0x8e: {  	v58 =	vbroadcast v4, $0xB  }
0x8f: {  	(v2sf) =	vpush v3, $0xD  }
0x90: {  	v5 =	vmul.f32 v5, v58;
	_ =	sdelay $0x1  }
0x91: {  	v5 =	vmax.f32 v57, v5  }
0x92: {  	[tilespmem:s28+$0x0] =	vst v5  }
0x93: {  	v5 =	vld [tilespmem:s19+$0x40]  }
0x94: {  	s29 =	spop (v2sf)  }
0x95: {  	v59 =	vld [tilespmem:s29+$0x0]  }
0x96: {  	v60 =	vbroadcast v4, $0xC  }
0x97: {  	(v2sf) =	vpush v3, $0xE  }
0x98: {  	v5 =	vmul.f32 v5, v60;
	_ =	sdelay $0x1  }
0x99: {  	v5 =	vmax.f32 v59, v5  }
0x9a: {  	[tilespmem:s29+$0x0] =	vst v5  }
0x9b: {  	v5 =	vld [tilespmem:s19+$0x50]  }
0x9c: {  	s30 =	spop (v2sf)  }
0x9d: {  	v61 =	vld [tilespmem:s30+$0x0]  }
0x9e: {  	v62 =	vbroadcast v4, $0xD  }
0x9f: {  	(v2sf) =	vpush v3, $0xF  }
0xa0: {  	v3 =	vmul.f32 v5, v62;
	_ =	sdelay $0x1  }
0xa1: {  	v3 =	vmax.f32 v61, v3  }
0xa2: {  	[tilespmem:s30+$0x0] =	vst v3  }
0xa3: {  	v3 =	vld [tilespmem:s19+$0x60]  }
0xa4: {  	s31 =	spop (v2sf)  }
0xa5: {  	v5 =	vld [tilespmem:s31+$0x0]  }
0xa6: {  	v63 =	vbroadcast v4, $0xE;
	_ =	sdelay $0x1  }
0xa7: {  	v3 =	vmul.f32 v3, v63;
	_ =	sdelay $0x1  }
0xa8: {  	v3 =	vmax.f32 v5, v3  }
0xa9: {  	[tilespmem:s31+$0x0] =	vst v3  }
0xaa: {  	v3 =	vld [tilespmem:s19+$0x70]  }
0xab: {  	s22 =	spop (v2sf)  }
0xac: {  	v5 =	vld [tilespmem:s22+$0x0]  }
0xad: {  	v4 =	vbroadcast v4, $0xF;
	_ =	sdelay $0x1  }
0xae: {  	v3 =	vmul.f32 v3, v4;
	_ =	sdelay $0x1  }
0xaf: {  	s20 =	simm.s32 $0x40;
	s23 =	simm.s32 $0x80;
	v3 =	vmax.f32 v5, v3  }
.LBB2_5:
0xb0: {  	s24 =	sshra.s32 s20, $0x2  }
0xb1: {  	[tilespmem:s22+$0x0] =	vst v3;
	s19 =	sadd.s32 $0x100, s19;
	s20 =	smov.u32 s23;
	s21 =	sadd.s32 $0x40, s23  }
0xb2: {  	p0 =	sne.s32 s23, $0x18C0;
	v3 =	vld [tilespmem:s24+$0x640];
	_ =	sdelay $0x1  }
0xb3: {  	v4 =	vld [tilespmem:s24+$0xC80];
	_ =	sdelay $0x2  }
0xb4: {  	vm0 =	vge.s32 v3, v0;
	vm1 =	vlt.s32 v3, v1  }
0xb5: {  	v3 =	vsub.s32 v3, v0;
	vm0 =	vmand vm0, vm1  }
0xb6: {  	v5 =	vnsel vm0, $0x0, v3;
	v3 =	vnsel vm0, $0x0, v4  }
0xb7: {  	v4 =	vshll.u32 v5, $0x6;
	v5 =	vbroadcast v3, $0x0  }
0xb8: {  	v4 =	vshra.s32 v4, $0x2  }
0xb9: {  	v4 =	vadd.s32 $0x76C0, v4  }
0xba: {  	(v2sf) =	vpush v4, $0x0;
	_ =	sdelay $0x8  }
0xbb: {  	(v2sf) =	vpush v4, $0x1;
	_ =	sdelay $0x4  }
0xbc: {  	v6 =	vld [tilespmem:s19+$0xFFFFFF80]  }
0xbd: {  	s22 =	spop (v2sf)  }
0xbe: {  	v7 =	vld [tilespmem:s22+$0x0];
	_ =	sdelay $0x1  }
0xbf: {  	(v2sf) =	vpush v4, $0x2  }
0xc0: {  	v5 =	vmul.f32 v5, v6;
	_ =	sdelay $0x1  }
0xc1: {  	v5 =	vmax.f32 v7, v5  }
0xc2: {  	[tilespmem:s22+$0x0] =	vst v5  }
0xc3: {  	v5 =	vld [tilespmem:s19+$0xFFFFFF90]  }
0xc4: {  	s22 =	spop (v2sf)  }
0xc5: {  	v6 =	vld [tilespmem:s22+$0x0]  }
0xc6: {  	v7 =	vbroadcast v3, $0x1  }
0xc7: {  	(v2sf) =	vpush v4, $0x3  }
0xc8: {  	v5 =	vmul.f32 v5, v7;
	_ =	sdelay $0x1  }
0xc9: {  	v5 =	vmax.f32 v6, v5  }
0xca: {  	[tilespmem:s22+$0x0] =	vst v5  }
0xcb: {  	v5 =	vld [tilespmem:s19+$0xFFFFFFA0]  }
0xcc: {  	s22 =	spop (v2sf)  }
0xcd: {  	v6 =	vld [tilespmem:s22+$0x0]  }
0xce: {  	v7 =	vbroadcast v3, $0x2  }
0xcf: {  	(v2sf) =	vpush v4, $0x4  }
0xd0: {  	v5 =	vmul.f32 v5, v7;
	_ =	sdelay $0x1  }
0xd1: {  	v5 =	vmax.f32 v6, v5  }
0xd2: {  	[tilespmem:s22+$0x0] =	vst v5  }
0xd3: {  	v5 =	vld [tilespmem:s19+$0xFFFFFFB0]  }
0xd4: {  	s22 =	spop (v2sf)  }
0xd5: {  	v6 =	vld [tilespmem:s22+$0x0]  }
0xd6: {  	v7 =	vbroadcast v3, $0x3  }
0xd7: {  	(v2sf) =	vpush v4, $0x5  }
0xd8: {  	v5 =	vmul.f32 v5, v7;
	_ =	sdelay $0x1  }
0xd9: {  	v5 =	vmax.f32 v6, v5  }
0xda: {  	[tilespmem:s22+$0x0] =	vst v5  }
0xdb: {  	v5 =	vld [tilespmem:s19+$0xFFFFFFC0]  }
0xdc: {  	s22 =	spop (v2sf)  }
0xdd: {  	v6 =	vld [tilespmem:s22+$0x0]  }
0xde: {  	v7 =	vbroadcast v3, $0x4  }
0xdf: {  	(v2sf) =	vpush v4, $0x6  }
0xe0: {  	v5 =	vmul.f32 v5, v7;
	_ =	sdelay $0x1  }
0xe1: {  	v5 =	vmax.f32 v6, v5  }
0xe2: {  	[tilespmem:s22+$0x0] =	vst v5  }
0xe3: {  	v5 =	vld [tilespmem:s19+$0xFFFFFFD0]  }
0xe4: {  	s22 =	spop (v2sf)  }
0xe5: {  	v6 =	vld [tilespmem:s22+$0x0]  }
0xe6: {  	v7 =	vbroadcast v3, $0x5  }
0xe7: {  	(v2sf) =	vpush v4, $0x7  }
0xe8: {  	v5 =	vmul.f32 v5, v7;
	_ =	sdelay $0x1  }
0xe9: {  	v5 =	vmax.f32 v6, v5  }
0xea: {  	[tilespmem:s22+$0x0] =	vst v5  }
0xeb: {  	v5 =	vld [tilespmem:s19+$0xFFFFFFE0]  }
0xec: {  	s22 =	spop (v2sf)  }
0xed: {  	v6 =	vld [tilespmem:s22+$0x0]  }
0xee: {  	v7 =	vbroadcast v3, $0x6  }
0xef: {  	(v2sf) =	vpush v4, $0x8  }
0xf0: {  	v5 =	vmul.f32 v5, v7;
	_ =	sdelay $0x1  }
0xf1: {  	v5 =	vmax.f32 v6, v5  }
0xf2: {  	[tilespmem:s22+$0x0] =	vst v5  }
0xf3: {  	v5 =	vld [tilespmem:s19+$0xFFFFFFF0]  }
0xf4: {  	s22 =	spop (v2sf)  }
0xf5: {  	v6 =	vld [tilespmem:s22+$0x0]  }
0xf6: {  	v7 =	vbroadcast v3, $0x7;
	(v2sf) =	vpush v4, $0x9;
	_ =	sdelay $0x1  }
0xf7: {  	v5 =	vmul.f32 v5, v7;
	_ =	sdelay $0x1  }
0xf8: {  	v5 =	vmax.f32 v6, v5  }
0xf9: {  	[tilespmem:s22+$0x0] =	vst v5  }
0xfa: {  	v5 =	vld [tilespmem:s19+$0x0]  }
0xfb: {  	s22 =	spop (v2sf)  }
0xfc: {  	v6 =	vld [tilespmem:s22+$0x0]  }
0xfd: {  	v7 =	vbroadcast v3, $0x8;
	(v2sf) =	vpush v4, $0xA;
	_ =	sdelay $0x1  }
0xfe: {  	v5 =	vmul.f32 v5, v7;
	_ =	sdelay $0x1  }
0xff: {  	v5 =	vmax.f32 v6, v5  }
0x100: {  	[tilespmem:s22+$0x0] =	vst v5  }
0x101: {  	v5 =	vld [tilespmem:s19+$0x10];
	s22 =	spop (v2sf)  }
0x102: {  	v6 =	vld [tilespmem:s22+$0x0];
	_ =	sdelay $0x1  }
0x103: {  	v7 =	vbroadcast v3, $0x9;
	(v2sf) =	vpush v4, $0xB;
	_ =	sdelay $0x1  }
0x104: {  	v5 =	vmul.f32 v5, v7;
	_ =	sdelay $0x1  }
0x105: {  	v5 =	vmax.f32 v6, v5  }
0x106: {  	[tilespmem:s22+$0x0] =	vst v5  }
0x107: {  	v5 =	vld [tilespmem:s19+$0x20];
	s22 =	spop (v2sf)  }
0x108: {  	v6 =	vld [tilespmem:s22+$0x0];
	_ =	sdelay $0x1  }
0x109: {  	v7 =	vbroadcast v3, $0xA;
	(v2sf) =	vpush v4, $0xC;
	_ =	sdelay $0x1  }
0x10a: {  	v5 =	vmul.f32 v5, v7;
	_ =	sdelay $0x1  }
0x10b: {  	v5 =	vmax.f32 v6, v5  }
0x10c: {  	[tilespmem:s22+$0x0] =	vst v5  }
0x10d: {  	v5 =	vld [tilespmem:s19+$0x30];
	s22 =	spop (v2sf)  }
0x10e: {  	v6 =	vld [tilespmem:s22+$0x0];
	_ =	sdelay $0x1  }
0x10f: {  	v7 =	vbroadcast v3, $0xB;
	(v2sf) =	vpush v4, $0xD;
	_ =	sdelay $0x1  }
0x110: {  	v5 =	vmul.f32 v5, v7;
	_ =	sdelay $0x1  }
0x111: {  	v5 =	vmax.f32 v6, v5  }
0x112: {  	[tilespmem:s22+$0x0] =	vst v5  }
0x113: {  	v5 =	vld [tilespmem:s19+$0x40];
	s22 =	spop (v2sf)  }
0x114: {  	v6 =	vld [tilespmem:s22+$0x0];
	_ =	sdelay $0x1  }
0x115: {  	v7 =	vbroadcast v3, $0xC;
	(v2sf) =	vpush v4, $0xE;
	_ =	sdelay $0x1  }
0x116: {  	v5 =	vmul.f32 v5, v7;
	_ =	sdelay $0x1  }
0x117: {  	v5 =	vmax.f32 v6, v5  }
0x118: {  	[tilespmem:s22+$0x0] =	vst v5  }
0x119: {  	v5 =	vld [tilespmem:s19+$0x50];
	s22 =	spop (v2sf)  }
0x11a: {  	v6 =	vld [tilespmem:s22+$0x0];
	_ =	sdelay $0x1  }
0x11b: {  	v7 =	vbroadcast v3, $0xD;
	(v2sf) =	vpush v4, $0xF;
	_ =	sdelay $0x1  }
0x11c: {  	v4 =	vmul.f32 v5, v7;
	_ =	sdelay $0x1  }
0x11d: {  	v4 =	vmax.f32 v6, v4  }
0x11e: {  	[tilespmem:s22+$0x0] =	vst v4  }
0x11f: {  	v4 =	vld [tilespmem:s19+$0x60];
	s22 =	spop (v2sf)  }
0x120: {  	v5 =	vld [tilespmem:s22+$0x0];
	_ =	sdelay $0x1  }
0x121: {  	v6 =	vbroadcast v3, $0xE;
	_ =	sdelay $0x1  }
0x122: {  	v4 =	vmul.f32 v4, v6;
	_ =	sdelay $0x1  }
0x123: {  	v4 =	vmax.f32 v5, v4  }
0x124: {  	[tilespmem:s22+$0x0] =	vst v4  }
0x125: {  	v4 =	vld [tilespmem:s19+$0x70];
	s22 =	spop (v2sf)  }
0x126: {  	v5 =	vld [tilespmem:s22+$0x0];
	_ =	sdelay $0x1  }
.Ltmp1:
0x127: {  	v3 =	vbroadcast v3, $0xF;
	(pc) =	sbr.rel @p0 .LBB2_5-.Ltmp1, $3  }
0x128: {  	_ = 	snop  }
0x129: {  	v3 =	vmul.f32 v4, v3;
	_ =	sdelay $0x1  }
0x12a: {  	s23 =	smov.u32 s21;
	v3 =	vmax.f32 v5, v3  }
0x12b: {  	s20 =	sshra.s32 s20, $0x2;
	[tilespmem:s22+$0x0] =	vst v3  }
0x12c: {  	v3 =	vld [tilespmem:s20+$0x640];
	_ =	sdelay $0x4  }
0x12d: {  	vm0 =	vge.s32 v3, v0;
	vm1 =	vlt.s32 v3, v1  }
0x12e: {  	v3 =	vsub.s32 v3, v0;
	vm0 =	vmand vm0, vm1  }
0x12f: {  	v3 =	vnsel vm0, $0x0, v3  }
0x130: {  	v3 =	vshll.u32 v3, $0x6  }
0x131: {  	v3 =	vshra.s32 v3, $0x2  }
0x132: {  	v3 =	vadd.s32 $0x76C0, v3  }
0x133: {  	(v2sf) =	vpush v3, $0x0;
	_ =	sdelay $0x8  }
0x134: {  	(v2sf) =	vpush v3, $0x1;
	_ =	sdelay $0x1  }
0x135: {  	v4 =	vld [tilespmem:s20+$0xC80];
	_ =	sdelay $0x1  }
0x136: {  	s19 =	sadd.s32 $0x100, s19  }
0x137: {  	v5 =	vld [tilespmem:s19+$0xFFFFFF80]  }
0x138: {  	s25 =	spop (v2sf)  }
0x139: {  	v4 =	vnsel vm0, $0x0, v4;
	v6 =	vld [tilespmem:s25+$0x0]  }
0x13a: {  	v7 =	vbroadcast v4, $0x0  }
0x13b: {  	(v2sf) =	vpush v3, $0x2  }
0x13c: {  	v5 =	vmul.f32 v7, v5;
	_ =	sdelay $0x1  }
0x13d: {  	v5 =	vmax.f32 v6, v5  }
0x13e: {  	[tilespmem:s25+$0x0] =	vst v5  }
0x13f: {  	v5 =	vld [tilespmem:s19+$0xFFFFFF90]  }
0x140: {  	s26 =	spop (v2sf)  }
0x141: {  	v35 =	vld [tilespmem:s26+$0x0]  }
0x142: {  	v36 =	vbroadcast v4, $0x1  }
0x143: {  	(v2sf) =	vpush v3, $0x3  }
0x144: {  	v5 =	vmul.f32 v5, v36;
	_ =	sdelay $0x1  }
0x145: {  	v5 =	vmax.f32 v35, v5  }
0x146: {  	[tilespmem:s26+$0x0] =	vst v5  }
0x147: {  	v5 =	vld [tilespmem:s19+$0xFFFFFFA0]  }
0x148: {  	s28 =	spop (v2sf)  }
0x149: {  	v37 =	vld [tilespmem:s28+$0x0]  }
0x14a: {  	v38 =	vbroadcast v4, $0x2  }
0x14b: {  	(v2sf) =	vpush v3, $0x4  }
0x14c: {  	v5 =	vmul.f32 v5, v38;
	_ =	sdelay $0x1  }
0x14d: {  	v5 =	vmax.f32 v37, v5  }
0x14e: {  	[tilespmem:s28+$0x0] =	vst v5  }
0x14f: {  	v5 =	vld [tilespmem:s19+$0xFFFFFFB0]  }
0x150: {  	s29 =	spop (v2sf)  }
0x151: {  	v39 =	vld [tilespmem:s29+$0x0]  }
0x152: {  	v40 =	vbroadcast v4, $0x3  }
0x153: {  	(v2sf) =	vpush v3, $0x5  }
0x154: {  	v5 =	vmul.f32 v5, v40;
	_ =	sdelay $0x1  }
0x155: {  	v5 =	vmax.f32 v39, v5  }
0x156: {  	[tilespmem:s29+$0x0] =	vst v5  }
0x157: {  	v5 =	vld [tilespmem:s19+$0xFFFFFFC0]  }
0x158: {  	s30 =	spop (v2sf)  }
0x159: {  	v41 =	vld [tilespmem:s30+$0x0]  }
0x15a: {  	v42 =	vbroadcast v4, $0x4  }
0x15b: {  	(v2sf) =	vpush v3, $0x6  }
0x15c: {  	v5 =	vmul.f32 v5, v42;
	_ =	sdelay $0x1  }
0x15d: {  	v5 =	vmax.f32 v41, v5  }
0x15e: {  	[tilespmem:s30+$0x0] =	vst v5  }
0x15f: {  	v5 =	vld [tilespmem:s19+$0xFFFFFFD0]  }
0x160: {  	s31 =	spop (v2sf)  }
0x161: {  	v43 =	vld [tilespmem:s31+$0x0]  }
0x162: {  	v44 =	vbroadcast v4, $0x5  }
0x163: {  	(v2sf) =	vpush v3, $0x7  }
0x164: {  	v5 =	vmul.f32 v5, v44;
	_ =	sdelay $0x1  }
0x165: {  	v5 =	vmax.f32 v43, v5  }
0x166: {  	[tilespmem:s31+$0x0] =	vst v5  }
0x167: {  	v5 =	vld [tilespmem:s19+$0xFFFFFFE0]  }
0x168: {  	s21 =	spop (v2sf)  }
0x169: {  	v45 =	vld [tilespmem:s21+$0x0]  }
0x16a: {  	v46 =	vbroadcast v4, $0x6  }
0x16b: {  	(v2sf) =	vpush v3, $0x8  }
0x16c: {  	v5 =	vmul.f32 v5, v46;
	_ =	sdelay $0x1  }
0x16d: {  	v5 =	vmax.f32 v45, v5  }
0x16e: {  	[tilespmem:s21+$0x0] =	vst v5  }
0x16f: {  	v5 =	vld [tilespmem:s19+$0xFFFFFFF0]  }
0x170: {  	s22 =	spop (v2sf)  }
0x171: {  	v47 =	vld [tilespmem:s22+$0x0]  }
0x172: {  	v48 =	vbroadcast v4, $0x7  }
0x173: {  	(v2sf) =	vpush v3, $0x9  }
0x174: {  	v5 =	vmul.f32 v5, v48;
	_ =	sdelay $0x1  }
0x175: {  	v5 =	vmax.f32 v47, v5  }
0x176: {  	[tilespmem:s22+$0x0] =	vst v5  }
0x177: {  	v5 =	vld [tilespmem:s19+$0x0]  }
0x178: {  	s23 =	spop (v2sf)  }
0x179: {  	v49 =	vld [tilespmem:s23+$0x0]  }
0x17a: {  	v50 =	vbroadcast v4, $0x8  }
0x17b: {  	(v2sf) =	vpush v3, $0xA  }
0x17c: {  	v5 =	vmul.f32 v5, v50;
	_ =	sdelay $0x1  }
0x17d: {  	v5 =	vmax.f32 v49, v5  }
0x17e: {  	[tilespmem:s23+$0x0] =	vst v5  }
0x17f: {  	v5 =	vld [tilespmem:s19+$0x10]  }
0x180: {  	s24 =	spop (v2sf)  }
0x181: {  	v51 =	vld [tilespmem:s24+$0x0]  }
0x182: {  	v52 =	vbroadcast v4, $0x9  }
0x183: {  	(v2sf) =	vpush v3, $0xB  }
0x184: {  	v5 =	vmul.f32 v5, v52;
	_ =	sdelay $0x1  }
0x185: {  	v5 =	vmax.f32 v51, v5  }
0x186: {  	[tilespmem:s24+$0x0] =	vst v5  }
0x187: {  	v5 =	vld [tilespmem:s19+$0x20]  }
0x188: {  	s25 =	spop (v2sf)  }
0x189: {  	v53 =	vld [tilespmem:s25+$0x0]  }
0x18a: {  	v54 =	vbroadcast v4, $0xA  }
0x18b: {  	(v2sf) =	vpush v3, $0xC  }
0x18c: {  	v5 =	vmul.f32 v5, v54;
	_ =	sdelay $0x1  }
0x18d: {  	v5 =	vmax.f32 v53, v5  }
0x18e: {  	[tilespmem:s25+$0x0] =	vst v5  }
0x18f: {  	v5 =	vld [tilespmem:s19+$0x30]  }
0x190: {  	s26 =	spop (v2sf)  }
0x191: {  	v55 =	vld [tilespmem:s26+$0x0]  }
0x192: {  	v56 =	vbroadcast v4, $0xB  }
0x193: {  	(v2sf) =	vpush v3, $0xD  }
0x194: {  	v5 =	vmul.f32 v5, v56;
	_ =	sdelay $0x1  }
0x195: {  	v5 =	vmax.f32 v55, v5  }
0x196: {  	[tilespmem:s26+$0x0] =	vst v5  }
0x197: {  	v5 =	vld [tilespmem:s19+$0x40]  }
0x198: {  	s28 =	spop (v2sf)  }
0x199: {  	v57 =	vld [tilespmem:s28+$0x0]  }
0x19a: {  	v58 =	vbroadcast v4, $0xC  }
0x19b: {  	(v2sf) =	vpush v3, $0xE  }
0x19c: {  	v5 =	vmul.f32 v5, v58;
	_ =	sdelay $0x1  }
0x19d: {  	v5 =	vmax.f32 v57, v5  }
0x19e: {  	[tilespmem:s28+$0x0] =	vst v5  }
0x19f: {  	v5 =	vld [tilespmem:s19+$0x50]  }
0x1a0: {  	s29 =	spop (v2sf)  }
0x1a1: {  	v59 =	vld [tilespmem:s29+$0x0]  }
0x1a2: {  	v60 =	vbroadcast v4, $0xD  }
0x1a3: {  	(v2sf) =	vpush v3, $0xF  }
0x1a4: {  	v3 =	vmul.f32 v5, v60;
	_ =	sdelay $0x1  }
0x1a5: {  	v3 =	vmax.f32 v59, v3  }
0x1a6: {  	[tilespmem:s29+$0x0] =	vst v3  }
0x1a7: {  	v3 =	vld [tilespmem:s19+$0x60]  }
0x1a8: {  	s30 =	spop (v2sf)  }
0x1a9: {  	v61 =	vld [tilespmem:s30+$0x0]  }
0x1aa: {  	v62 =	vbroadcast v4, $0xE;
	_ =	sdelay $0x1  }
0x1ab: {  	v3 =	vmul.f32 v3, v62;
	_ =	sdelay $0x1  }
0x1ac: {  	v3 =	vmax.f32 v61, v3  }
0x1ad: {  	[tilespmem:s30+$0x0] =	vst v3  }
0x1ae: {  	v3 =	vld [tilespmem:s19+$0x70]  }
0x1af: {  	s31 =	spop (v2sf)  }
0x1b0: {  	s18 =	sadd.s32 $0x1, s18;
	v63 =	vld [tilespmem:s31+$0x0]  }
0x1b1: {  	p0 =	sne.s32 s18, $0x64;
	v4 =	vbroadcast v4, $0xF  }
.Ltmp2:
0x1b2: {  	_ = 	snop;
	(pc) =	sbr.rel @p0 .LBB2_4-.Ltmp2, $3  }
0x1b3: {  	v3 =	vmul.f32 v3, v4;
	_ =	sdelay $0x1  }
0x1b4: {  	v3 =	vmax.f32 v63, v3  }
0x1b5: {  	[tilespmem:s31+$0x0] =	vst v3  }
0x1b6: {  	s16 =	sadd.s32 $0x1, s16  }
0x1b7: {  	p0 =	sne.s32 s16, s9  }
.Ltmp3:
0x1b8: {  	_ = 	snop;
	(pc) =	sbr.rel @p0 .LBB2_1-.Ltmp3, $4  }
0x1b9: {  	[hbm4b:s8+s2] =	stream.linear.scatter [tilespmem:s15], [sflag:$0x2], $0x13880, $0x38;
	[tilespmem:$0x1AF40] =	vst v63  }
0x1ba: {  	_ =	swait.ge [sflag:s10], $0x13880  }
0x1bb: {  	[sflag:s10] =	ssyncset.done $0x0  }
0x1bc: {  	[sflag:s10] =	ssyncadd.s32 $0xFFFEC780  }
0x1bd: {  	_ =	sfence.sel $0x180000  }
0x1be: {  	[bflag:$0x0] =	sbarrier.arrive $0xFFFF  }
0x1bf: {  	p0 =	sne.s32 s1, $0x0;
	_ =	strace $0x90000047  }
0x1c0: {  	s0 =	sadd.s32 @!p0 $0x100000, s0;
	[bflag:$0x2] =	sbarrier.arrive $0xFFFF  }
0x1c1: {  	[sflag:s0] =	ssyncadd.tile.s32 @!p0 $0x1;
	_ =	shalt  }
.Lfunc_end2:
_tile_overlayer_lowered:
.L_overlay_start_2:
0x1c2: {  	(tag) =	ssettag $0x2  }
0x1c3: {  	s0 =	rddreg [dreg:$0x0];
	s2 =	stileid.u32  }
0x1c4: {  	s1 =	rddreg [dreg:$0x1];
	p0 =	sne.s32 s2, $0x0  }
0x1c5: {  	s3 =	rddreg [dreg:$0x2];
	[bflag:$0x3] =	sbarrier.arrive $0xFFFF;
	s2 =	simm.s32 @!p0 $0x1C02  }
0x1c6: {  	[timem:s3], [sflag:s2] =	dma.local @!p0 [hbm:s0], s1  }
0x1c7: {  	s0 =	simm.s32 @!p0 $0x2  }
0x1c8: {  	_ =	swait.ge @!p0 [sflag:s0], s1  }
0x1c9: {  	s1 =	ssub.s32 @!p0 $0x0, s1;
	[sflag:s0] =	ssyncset.done @!p0 $0x0  }
0x1ca: {  	[sflag:s0] =	ssyncadd.s32 @!p0 s1  }
0x1cb: {  	[bflag:$0x3] =	sbarrier.arrive $0xFFFF  }
0x1cc: {  	_ =	shalt  }

</sc_bundles>
